<compile_context>
chip_gen: v7x
topology: tpu7x:2x2x1
jax: 0.10.2.dev20260603
libtpu: 0.0.44.dev20260713+nightly
codegen_flags: <defaults>
</compile_context>

<pallas_src>
import functools

import jax
import jax.numpy as jnp
from jax import lax
from jax.experimental import pallas as pl
from jax.experimental.pallas import tpu as pltpu
from jax.experimental.pallas import tpu_sc as plsc

ROLE_SUBJ = 0
ROLE_OBJ = 1
ROLE_VERB = 2
ROLE_CONJ = 3
LN_EPS = 1e-5

_NC = 2
_NS = 16
_NW = _NC * _NS


def _rotvec_body(x_ref, wrot_ref, brot_ref, role_ref, ptr_ref,
                 rv_ref, sel_ref):
    xb = x_ref[...]
    role = role_ref[...]
    rv_ref[...] = jnp.dot(xb, wrot_ref[...],
                          preferred_element_type=jnp.float32) + brot_ref[...]
    is_conj = role == ROLE_CONJ
    is_other = role > ROLE_CONJ
    sel = jnp.where(is_conj, 1, jnp.where(is_other, 2, 0))
    sel_ref[...] = sel * 16 + ptr_ref[...]


def _main_body(x_ref, ms_ref, mo_ref, mv_ref,
               wrole_ref, brole_ref, wspawn_ref, bspawn_ref,
               wsubj_ref, bsubj_ref, wobj_ref, bobj_ref,
               wvg_ref, bvg_ref, wvc_ref, bvc_ref,
               wog_ref, bog_ref, gamma_ref, beta_ref,
               role_ref, slock_ref, olock_ref,
               xout_ref, rl_ref, sp_ref, ns_ref, no_ref, nv_ref):
    xb = x_ref[...]
    role = role_ref[...]
    slock = slock_ref[...] != 0
    olock = olock_ref[...] != 0

    is_subj = role == ROLE_SUBJ
    is_obj = role == ROLE_OBJ
    is_verb = role == ROLE_VERB

    rl_ref[...] = jnp.dot(xb, wrole_ref[...],
                          preferred_element_type=jnp.float32) + brole_ref[...]
    sp_ref[...] = jnp.dot(xb, wspawn_ref[...],
                          preferred_element_type=jnp.float32) + bspawn_ref[0, 0]

    subj_vec = jnp.dot(xb, wsubj_ref[...],
                       preferred_element_type=jnp.float32) + bsubj_ref[...]
    ns_ref[...] = jnp.where(is_subj & (~slock), subj_vec, ms_ref[...])
    obj_vec = jnp.dot(xb, wobj_ref[...],
                      preferred_element_type=jnp.float32) + bobj_ref[...]
    no_ref[...] = jnp.where(is_obj & (~olock), obj_vec, mo_ref[...])

    vgate = jax.nn.sigmoid(jnp.dot(xb, wvg_ref[...],
                                   preferred_element_type=jnp.float32)
                           + bvg_ref[0, 0])
    verb_vec = jnp.dot(xb, wvc_ref[...],
                       preferred_element_type=jnp.float32) + bvc_ref[...]
    mv = mv_ref[...]
    nv_ref[...] = jnp.where(is_verb, vgate * verb_vec + (1.0 - vgate) * mv, mv)

    gate = jax.nn.sigmoid(jnp.dot(xb, wog_ref[...],
                                  preferred_element_type=jnp.float32)
                          + bog_ref[...])
    h = xb + gate * xb
    mu = jnp.mean(h, axis=-1, keepdims=True)
    var = jnp.mean((h - mu) ** 2, axis=-1, keepdims=True)
    xout_ref[...] = ((h - mu) * lax.rsqrt(var + LN_EPS) * gamma_ref[...]
                     + beta_ref[...])


def _sc_rot(B, R, d):
    RW = B // _NW
    CH = 4
    NCHUNK = RW // CH
    mesh = plsc.VectorSubcoreMesh(core_axis_name="c", subcore_axis_name="s",
                                  num_cores=_NC, num_subcores=_NS)

    @functools.partial(
        pl.kernel,
        out_type=jax.ShapeDtypeStruct((B * R, d), jnp.float32),
        mesh=mesh,
    scratch_types=[
            pltpu.VMEM((CH * R, d), jnp.float32),
            pltpu.VMEM((RW + 16,), jnp.int32),
            pltpu.SemaphoreType.DMA,
            pltpu.SemaphoreType.DMA,
        ],
    )
    def sc_rot(rot_hbm, x_hbm, rv_hbm, sel_hbm, z_hbm, out_hbm,
               buf, codev, sem_in, sem_out):
        wid = lax.axis_index("s") * _NC + lax.axis_index("c")
        base = wid * RW
        pltpu.sync_copy(sel_hbm.at[pl.ds(base, RW)], codev.at[pl.ds(0, RW)])

        def chunk(c, carry):
            row0 = base + c * CH
            pltpu.async_copy(rot_hbm.at[pl.ds(row0 * R, CH * R)], buf,
                             sem_in).wait()
            for r in range(CH):
                j = c * CH + r
                code = codev[pl.ds(j, 16)][0]
                s = code >> 4
                p = code & 15
                fr = r * R

                @pl.when(s == 1)
                def _():
                    pltpu.sync_copy(z_hbm.at[pl.ds(0, R - 1)],
                                    buf.at[pl.ds(fr + 1, R - 1)])
                    pltpu.sync_copy(x_hbm.at[pl.ds(row0 + r, 1)],
                                    buf.at[pl.ds(fr, 1)])

                @pl.when(s == 2)
                def _():
                    pltpu.sync_copy(rv_hbm.at[pl.ds(row0 + r, 1)],
                                    buf.at[pl.ds(fr + p, 1)])
            pltpu.async_copy(buf, out_hbm.at[pl.ds(row0 * R, CH * R)],
                             sem_out).wait()
            return carry

        lax.fori_loop(0, NCHUNK, chunk, 0)

    return sc_rot


def kernel(x, mem_subject, mem_object, mem_verb, mem_rot, W_role, b_role,
           W_spawn, b_spawn, W_subj, b_subj, W_obj, b_obj, W_verb_gate,
           b_verb_gate, W_verb_c, b_verb_c, W_rot, b_rot, W_out_gate,
           b_out_gate, ln_gamma, ln_beta, role_label, rot_ptr,
           subject_locked, object_locked):
    B, d = x.shape
    R = mem_rot.shape[1]
    nroles = W_role.shape[1]
    BB = 128

    def row_blk(i):
        return (i, 0)

    def full(i):
        return (0, 0)

    row_spec = pl.BlockSpec((BB, d), row_blk)
    mask_spec = pl.BlockSpec((BB, 1), row_blk)
    w_spec = pl.BlockSpec((d, d), full)
    vcol_spec = pl.BlockSpec((d, 1), full)
    brow_spec = pl.BlockSpec((1, d), full)
    scal_spec = pl.BlockSpec((1, 1), full)

    role2d = role_label.reshape(B, 1)
    ptr2d = rot_ptr.reshape(B, 1)

    BA = 512
    rva_spec = pl.BlockSpec((BA, d), row_blk)
    rv, sel = pl.pallas_call(
        _rotvec_body,
        grid=(B // BA,),
        in_specs=[rva_spec, w_spec, brow_spec,
                  pl.BlockSpec((BA, 1), row_blk), pl.BlockSpec((BA, 1), row_blk)],
        out_specs=(rva_spec, pl.BlockSpec((BA, 1), row_blk)),
        out_shape=(jax.ShapeDtypeStruct((B, d), jnp.float32),
                   jax.ShapeDtypeStruct((B, 1), jnp.int32)),
    )(x, W_rot, b_rot.reshape(1, d), role2d, ptr2d)

    zrows = jnp.zeros((R, d), jnp.float32)
    rot_flat = _sc_rot(B, R, d)(
        mem_rot.reshape(B * R, d), x, rv, sel.reshape(B), zrows)
    rot = rot_flat.reshape(B, R, d)

    out_shapes = (
        jax.ShapeDtypeStruct((B, d), jnp.float32),
        jax.ShapeDtypeStruct((B, nroles), jnp.float32),
        jax.ShapeDtypeStruct((B, 1), jnp.float32),
        jax.ShapeDtypeStruct((B, d), jnp.float32),
        jax.ShapeDtypeStruct((B, d), jnp.float32),
        jax.ShapeDtypeStruct((B, d), jnp.float32),
    )
    out_specs = (
        row_spec,
        pl.BlockSpec((BB, nroles), row_blk),
        mask_spec,
        row_spec,
        row_spec,
        row_spec,
    )
    in_specs = [
        row_spec, row_spec, row_spec, row_spec,
        pl.BlockSpec((d, nroles), full), pl.BlockSpec((1, nroles), full),
        vcol_spec, scal_spec,
        w_spec, brow_spec, w_spec, brow_spec,
        vcol_spec, scal_spec, w_spec, brow_spec,
        w_spec, brow_spec,
        brow_spec, brow_spec,
        mask_spec, mask_spec, mask_spec,
    ]
    x_out, role_logits, spawn_logit, new_s, new_o, new_v = pl.pallas_call(
        _main_body,
        grid=(B // BB,),
        in_specs=in_specs,
        out_specs=out_specs,
        out_shape=out_shapes,
    )(
        x, mem_subject, mem_object, mem_verb,
        W_role, b_role.reshape(1, nroles),
        W_spawn.reshape(d, 1), b_spawn.reshape(1, 1),
        W_subj, b_subj.reshape(1, d), W_obj, b_obj.reshape(1, d),
        W_verb_gate.reshape(d, 1), b_verb_gate.reshape(1, 1),
        W_verb_c, b_verb_c.reshape(1, d),
        W_out_gate, b_out_gate.reshape(1, d),
        ln_gamma.reshape(1, d), ln_beta.reshape(1, d),
        role2d,
        subject_locked.astype(jnp.int32).reshape(B, 1),
        object_locked.astype(jnp.int32).reshape(B, 1),
    )
    return (x_out, role_logits, spawn_logit.reshape(B), new_s, new_o,
            new_v, rot)

# --- scband reference (transcript-rebuilt; emitter-appended) ---
"""Pipeline reference for scband-solar-ring-layer-74062416053186 (READ-ONLY COPY).

The authoritative reference and input builder live on the scoring server;
editing this copy changes nothing except your own understanding.
"""

import jax, jax.numpy as jnp
import numpy as np

D_MODEL = 1024
NUM_ROLES = 8
RING_SIZE = 8
BATCH = 4096
ROLE_SUBJ = 0
ROLE_OBJ = 1
ROLE_VERB = 2
ROLE_CONJ = 3
LN_EPS = 1e-5


def setup_inputs(seed: int = 0):
    key = jax.random.key(seed)
    ks = jax.random.split(key, 20)
    d = D_MODEL
    s = 0.02
    inp = {}
    inp["x"] = jax.random.normal(ks[0], (BATCH, d), dtype=jnp.float32)
    inp["mem_subject"] = jax.random.normal(ks[1], (BATCH, d), dtype=jnp.float32)
    inp["mem_object"] = jax.random.normal(ks[2], (BATCH, d), dtype=jnp.float32)
    inp["mem_verb"] = jax.random.normal(ks[3], (BATCH, d), dtype=jnp.float32)
    inp["mem_rot"] = jax.random.normal(ks[4], (BATCH, RING_SIZE, d), dtype=jnp.float32)
    inp["W_role"] = jax.random.normal(ks[5], (d, NUM_ROLES), dtype=jnp.float32) * s
    inp["b_role"] = jnp.zeros((NUM_ROLES,), jnp.float32)
    inp["W_spawn"] = jax.random.normal(ks[6], (d,), dtype=jnp.float32) * s
    inp["b_spawn"] = jnp.zeros((), jnp.float32)
    inp["W_subj"] = jax.random.normal(ks[7], (d, d), dtype=jnp.float32) * s
    inp["b_subj"] = jnp.zeros((d,), jnp.float32)
    inp["W_obj"] = jax.random.normal(ks[8], (d, d), dtype=jnp.float32) * s
    inp["b_obj"] = jnp.zeros((d,), jnp.float32)
    inp["W_verb_gate"] = jax.random.normal(ks[9], (d,), dtype=jnp.float32) * s
    inp["b_verb_gate"] = jnp.zeros((), jnp.float32)
    inp["W_verb_c"] = jax.random.normal(ks[10], (d, d), dtype=jnp.float32) * s
    inp["b_verb_c"] = jnp.zeros((d,), jnp.float32)
    inp["W_rot"] = jax.random.normal(ks[11], (d, d), dtype=jnp.float32) * s
    inp["b_rot"] = jnp.zeros((d,), jnp.float32)
    inp["W_out_gate"] = jax.random.normal(ks[12], (d, d), dtype=jnp.float32) * s
    inp["b_out_gate"] = jnp.zeros((d,), jnp.float32)
    inp["ln_gamma"] = jnp.ones((d,), jnp.float32)
    inp["ln_beta"] = jnp.zeros((d,), jnp.float32)
    inp["role_label"] = jax.random.randint(ks[13], (BATCH,), 0, NUM_ROLES, dtype=jnp.int32)
    inp["rot_ptr"] = jax.random.randint(ks[14], (BATCH,), 0, RING_SIZE, dtype=jnp.int32)
    inp["subject_locked"] = jax.random.randint(ks[15], (BATCH,), 0, 2, dtype=jnp.int32) > 0
    inp["object_locked"] = jax.random.randint(ks[16], (BATCH,), 0, 2, dtype=jnp.int32) > 0
    return inp


def reference(x, mem_subject, mem_object, mem_verb, mem_rot,
              W_role, b_role, W_spawn, b_spawn, W_subj, b_subj, W_obj, b_obj,
              W_verb_gate, b_verb_gate, W_verb_c, b_verb_c, W_rot, b_rot,
              W_out_gate, b_out_gate, ln_gamma, ln_beta,
              role_label, rot_ptr, subject_locked, object_locked):
    # Batched/vmapped translation of SolarRingLayer.forward with layer_idx=0
    # (write_enabled=True; cross-ring/pronoun/relation branches inactive).
    B = x.shape[0]
    role_logits = x @ W_role + b_role
    spawn_logit = x @ W_spawn + b_spawn
    spawn_prob = jax.nn.sigmoid(spawn_logit)
    eff = role_label  # role_label provided, overrides argmax prediction
    is_subj = eff == ROLE_SUBJ
    is_obj = eff == ROLE_OBJ
    is_verb = eff == ROLE_VERB
    is_conj = eff == ROLE_CONJ
    do_spawn = (spawn_prob > 0.5) | is_conj
    # 1) write-once subject (hard lock)
    subj_vec = x @ W_subj + b_subj
    new_subject = jnp.where((is_subj & (~subject_locked))[:, None], subj_vec, mem_subject)
    # 2) write-once object (hard lock)
    obj_vec = x @ W_obj + b_obj
    new_object = jnp.where((is_obj & (~object_locked))[:, None], obj_vec, mem_object)
    # 3) gated LSTM-style verb update
    vgate = jax.nn.sigmoid(x @ W_verb_gate + b_verb_gate)[:, None]
    verb_vec = x @ W_verb_c + b_verb_c
    new_verb = jnp.where(is_verb[:, None], vgate * verb_vec + (1.0 - vgate) * mem_verb, mem_verb)
    # 4) spawn child ring on CONJ: reset rotating buffer, seed slot 0 with x
    spawn_mask = is_conj & do_spawn
    rot = jnp.where(spawn_mask[:, None, None], jnp.zeros_like(mem_rot), mem_rot)
    rot = rot.at[:, 0, :].set(jnp.where(spawn_mask[:, None], x, rot[:, 0, :]))
    # 5) rotating circular-buffer write for all other roles (scatter)
    is_other = ~(is_subj | is_obj | is_verb | spawn_mask)
    rot_vec = x @ W_rot + b_rot
    ridx = jnp.arange(B)
    cur = rot[ridx, rot_ptr]
    rot = rot.at[ridx, rot_ptr].set(jnp.where(is_other[:, None], rot_vec, cur))
    # 6) output gate + residual LayerNorm
    x_ctx = x
    gate_out = jax.nn.sigmoid(x_ctx @ W_out_gate + b_out_gate)
    h = x + gate_out * x_ctx
    mu = jnp.mean(h, axis=-1, keepdims=True)
    var = jnp.mean((h - mu) ** 2, axis=-1, keepdims=True)
    x_out = (h - mu) / jnp.sqrt(var + LN_EPS) * ln_gamma + ln_beta
    return (x_out, role_logits, spawn_logit, new_subject, new_object, new_verb, rot)

if __name__ == "__main__":
    import jax
    _d = setup_inputs()
    print(jax.jit(kernel)(*tuple(_d.values())))

</pallas_src>

<mosaic_0001>
#map = affine_map<(d0, d1) -> (0, 0)>
#map1 = affine_map<(d0, d1) -> (0)>
module attributes {stable_mosaic.version = 14 : i64} {
  func.func @sc_rot(%arg0: i32, %arg1: i32, %arg2: memref<32768x1024xf32, #tpu.memory_space<hbm>>, %arg3: memref<4096x1024xf32, #tpu.memory_space<hbm>>, %arg4: memref<4096x1024xf32, #tpu.memory_space<hbm>>, %arg5: memref<4096xi32, #tpu.memory_space<hbm>>, %arg6: memref<8x1024xf32, #tpu.memory_space<hbm>>, %arg7: memref<32768x1024xf32, #tpu.memory_space<hbm>>, %arg8: memref<32x1024xf32, #tpu.memory_space<vmem>>, %arg9: memref<144xi32, #tpu.memory_space<vmem>>, %arg10: memref<!tpu.dma_semaphore, #tpu.memory_space<semaphore_mem>>, %arg11: memref<!tpu.dma_semaphore, #tpu.memory_space<semaphore_mem>>) attributes {dimension_semantics = [#tpu.dimension_semantics<core_parallel>, #tpu.dimension_semantics<subcore_parallel>], iteration_bounds = array<i64: 2, 16>, scalar_prefetch = 0 : i64, scratch_operands = 4 : i64, tpu.core_type = #tpu.core_type<sc_vector_subcore>, window_params = [{transform_indices = #map}, {transform_indices = #map}, {transform_indices = #map}, {transform_indices = #map1}, {transform_indices = #map}, {transform_indices = #map}]} {
    %mul3A = arith.constant 2 : i32
    %mul3A_0 = arith.muli %arg1, %mul3A : i32
    %add3A = arith.addi %mul3A_0, %arg0 : i32
    %mul3A_1 = arith.constant 128 : i32
    %mul3A_2 = arith.muli %add3A, %mul3A_1 : i32
    "tpu.region"() ({
      %run_scoped3A = tpu.sem_alloc : memref<!tpu.dma_semaphore, #tpu.memory_space<semaphore_mem>>
      %dma_start3A = arith.constant 0 : i32
      %dma_start3A_8 = tpu.memref_slice %arg9[%dma_start3A] : memref<144xi32, #tpu.memory_space<vmem>> -> memref<128xi32, #tpu.memory_space<vmem>>
      %dma_start3A_9 = tpu.memref_slice %arg5[%mul3A_2] : memref<4096xi32, #tpu.memory_space<hbm>> -> memref<128xi32, #tpu.memory_space<hbm>>
      %dma_start3A_10 = arith.constant 0 : i32
      %dma_start3A_11 = tpu.memref_slice %arg9[%dma_start3A_10] : memref<144xi32, #tpu.memory_space<vmem>> -> memref<128xi32, #tpu.memory_space<vmem>>
      %dma_start3A_12 = tpu.memref_slice %arg5[%mul3A_2] : memref<4096xi32, #tpu.memory_space<hbm>> -> memref<128xi32, #tpu.memory_space<hbm>>
      tpu.enqueue_dma source(%dma_start3A_12 : memref<128xi32, #tpu.memory_space<hbm>>) target(%dma_start3A_11 : memref<128xi32, #tpu.memory_space<vmem>>) target_semaphore(%run_scoped3A : memref<!tpu.dma_semaphore, #tpu.memory_space<semaphore_mem>>)
      %dma_wait3A = arith.constant 0 : i32
      %dma_wait3A_13 = tpu.memref_slice %arg9[%dma_wait3A] : memref<144xi32, #tpu.memory_space<vmem>> -> memref<128xi32, #tpu.memory_space<vmem>>
      %dma_wait3A_14 = tpu.memref_slice %arg5[%mul3A_2] : memref<4096xi32, #tpu.memory_space<hbm>> -> memref<128xi32, #tpu.memory_space<hbm>>
      %dma_wait3A_15 = arith.constant 0 : i32
      %dma_wait3A_16 = tpu.memref_slice %arg9[%dma_wait3A_15] : memref<144xi32, #tpu.memory_space<vmem>> -> memref<128xi32, #tpu.memory_space<vmem>>
      %dma_wait3A_17 = tpu.memref_slice %arg5[%mul3A_2] : memref<4096xi32, #tpu.memory_space<hbm>> -> memref<128xi32, #tpu.memory_space<hbm>>
      tpu.wait_dma2 semaphore(%run_scoped3A : memref<!tpu.dma_semaphore, #tpu.memory_space<semaphore_mem>>) src(%dma_wait3A_17 : memref<128xi32, #tpu.memory_space<hbm>>) dst(%dma_wait3A_16 : memref<128xi32, #tpu.memory_space<vmem>>)
      tpu.yield
    }) : () -> ()
    %scan3A = arith.constant 0 : i32
    %scan3A_3 = arith.constant 0 : i32
    %scan3A_4 = arith.constant 32 : i32
    %scan3A_5 = arith.addi %scan3A_3, %scan3A_4 : i32
    %scan3A_6 = arith.constant 1 : i32
    scf.for %scan3A_8 = %scan3A_3 to %scan3A_5 step %scan3A_6  : i32 {
      %mul3A_9 = arith.constant 4 : i32
      %mul3A_10 = arith.muli %scan3A_8, %mul3A_9 : i32
      %add3A_11 = arith.addi %mul3A_2, %mul3A_10 : i32
      %mul3A_12 = arith.constant 8 : i32
      %mul3A_13 = arith.muli %add3A_11, %mul3A_12 : i32
      %dma_start3A = arith.constant 0 : i32
      %dma_start3A_14 = tpu.memref_slice %arg2[%mul3A_13, %dma_start3A] : memref<32768x1024xf32, #tpu.memory_space<hbm>> -> memref<32x1024xf32, #tpu.memory_space<hbm>>
      %dma_start3A_15 = arith.constant 0 : i32
      %dma_start3A_16 = tpu.memref_slice %arg2[%mul3A_13, %dma_start3A_15] : memref<32768x1024xf32, #tpu.memory_space<hbm>> -> memref<32x1024xf32, #tpu.memory_space<hbm>>
      tpu.enqueue_dma source(%dma_start3A_16 : memref<32x1024xf32, #tpu.memory_space<hbm>>) target(%arg8 : memref<32x1024xf32, #tpu.memory_space<vmem>>) target_semaphore(%arg10 : memref<!tpu.dma_semaphore, #tpu.memory_space<semaphore_mem>>)
      %dma_wait3A = arith.constant 0 : i32
      %dma_wait3A_17 = tpu.memref_slice %arg2[%mul3A_13, %dma_wait3A] : memref<32768x1024xf32, #tpu.memory_space<hbm>> -> memref<32x1024xf32, #tpu.memory_space<hbm>>
      %dma_wait3A_18 = arith.constant 0 : i32
      %dma_wait3A_19 = tpu.memref_slice %arg2[%mul3A_13, %dma_wait3A_18] : memref<32768x1024xf32, #tpu.memory_space<hbm>> -> memref<32x1024xf32, #tpu.memory_space<hbm>>
      tpu.wait_dma2 semaphore(%arg10 : memref<!tpu.dma_semaphore, #tpu.memory_space<semaphore_mem>>) src(%dma_wait3A_19 : memref<32x1024xf32, #tpu.memory_space<hbm>>) dst(%arg8 : memref<32x1024xf32, #tpu.memory_space<vmem>>)
      %mul3A_20 = arith.constant 4 : i32
      %mul3A_21 = arith.muli %scan3A_8, %mul3A_20 : i32
      %add3A_22 = arith.constant 0 : i32
      %add3A_23 = arith.addi %mul3A_21, %add3A_22 : i32
      %get3A = arith.index_cast %add3A_23 : i32 to index
      %get3A_24 = tpu.vector_load %arg9[%get3A] {strides = array<i32>} : memref<144xi32, #tpu.memory_space<vmem>>, vector<16xi32>,
      %get3A_25 = vector.shape_cast %get3A_24 : vector<16xi32> to vector<16xi32>
      %slice3A = vector.extract_strided_slice %get3A_25 {offsets = [0], sizes = [1], strides = [1]} : vector<16xi32> to vector<1xi32>
      %squeeze3A = vector.extract %slice3A[0] : i32 from vector<1xi32>
      %shift_right_arithmetic3A = arith.constant 4 : i32
      %shift_right_arithmetic3A_26 = arith.shrsi %squeeze3A, %shift_right_arithmetic3A : i32
      %and3A = arith.constant 15 : i32
      %and3A_27 = arith.andi %squeeze3A, %and3A : i32
      %eq3A = arith.constant 1 : i32
      %eq3A_28 = arith.cmpi eq, %shift_right_arithmetic3A_26, %eq3A : i32
      %convert_element_type3A = arith.extui %eq3A_28 : i1 to i32
      %cond3A = arith.constant 0 : i32
      %cond3A_29 = arith.cmpi ne, %convert_element_type3A, %cond3A : i32
      scf.if %cond3A_29 {
        "tpu.region"() ({
          %run_scoped3A = tpu.sem_alloc : memref<!tpu.dma_semaphore, #tpu.memory_space<semaphore_mem>>
          %dma_start3A_116 = arith.constant 1 : i32
          %dma_start3A_117 = arith.constant 0 : i32
          %dma_start3A_118 = tpu.memref_slice %arg8[%dma_start3A_116, %dma_start3A_117] : memref<32x1024xf32, #tpu.memory_space<vmem>> -> memref<7x1024xf32, #tpu.memory_space<vmem>>
          %dma_start3A_119 = arith.constant 0 : i32
          %dma_start3A_120 = arith.constant 0 : i32
          %dma_start3A_121 = tpu.memref_slice %arg6[%dma_start3A_119, %dma_start3A_120] : memref<8x1024xf32, #tpu.memory_space<hbm>> -> memref<7x1024xf32, #tpu.memory_space<hbm>>
          %dma_start3A_122 = arith.constant 1 : i32
          %dma_start3A_123 = arith.constant 0 : i32
          %dma_start3A_124 = tpu.memref_slice %arg8[%dma_start3A_122, %dma_start3A_123] : memref<32x1024xf32, #tpu.memory_space<vmem>> -> memref<7x1024xf32, #tpu.memory_space<vmem>>
          %dma_start3A_125 = arith.constant 0 : i32
          %dma_start3A_126 = arith.constant 0 : i32
          %dma_start3A_127 = tpu.memref_slice %arg6[%dma_start3A_125, %dma_start3A_126] : memref<8x1024xf32, #tpu.memory_space<hbm>> -> memref<7x1024xf32, #tpu.memory_space<hbm>>
          tpu.enqueue_dma source(%dma_start3A_127 : memref<7x1024xf32, #tpu.memory_space<hbm>>) target(%dma_start3A_124 : memref<7x1024xf32, #tpu.memory_space<vmem>>) target_semaphore(%run_scoped3A : memref<!tpu.dma_semaphore, #tpu.memory_space<semaphore_mem>>)
          %dma_wait3A_128 = arith.constant 1 : i32
          %dma_wait3A_129 = arith.constant 0 : i32
          %dma_wait3A_130 = tpu.memref_slice %arg8[%dma_wait3A_128, %dma_wait3A_129] : memref<32x1024xf32, #tpu.memory_space<vmem>> -> memref<7x1024xf32, #tpu.memory_space<vmem>>
          %dma_wait3A_131 = arith.constant 0 : i32
          %dma_wait3A_132 = arith.constant 0 : i32
          %dma_wait3A_133 = tpu.memref_slice %arg6[%dma_wait3A_131, %dma_wait3A_132] : memref<8x1024xf32, #tpu.memory_space<hbm>> -> memref<7x1024xf32, #tpu.memory_space<hbm>>
          %dma_wait3A_134 = arith.constant 1 : i32
          %dma_wait3A_135 = arith.constant 0 : i32
          %dma_wait3A_136 = tpu.memref_slice %arg8[%dma_wait3A_134, %dma_wait3A_135] : memref<32x1024xf32, #tpu.memory_space<vmem>> -> memref<7x1024xf32, #tpu.memory_space<vmem>>
          %dma_wait3A_137 = arith.constant 0 : i32
          %dma_wait3A_138 = arith.constant 0 : i32
          %dma_wait3A_139 = tpu.memref_slice %arg6[%dma_wait3A_137, %dma_wait3A_138] : memref<8x1024xf32, #tpu.memory_space<hbm>> -> memref<7x1024xf32, #tpu.memory_space<hbm>>
          tpu.wait_dma2 semaphore(%run_scoped3A : memref<!tpu.dma_semaphore, #tpu.memory_space<semaphore_mem>>) src(%dma_wait3A_139 : memref<7x1024xf32, #tpu.memory_space<hbm>>) dst(%dma_wait3A_136 : memref<7x1024xf32, #tpu.memory_space<vmem>>)
          tpu.yield
        }) : () -> ()
        %add3A_114 = arith.constant 0 : i32
        %add3A_115 = arith.addi %add3A_11, %add3A_114 : i32
        "tpu.region"() ({
          %run_scoped3A = tpu.sem_alloc : memref<!tpu.dma_semaphore, #tpu.memory_space<semaphore_mem>>
          %dma_start3A_116 = arith.constant 0 : i32
          %dma_start3A_117 = arith.constant 0 : i32
          %dma_start3A_118 = tpu.memref_slice %arg8[%dma_start3A_116, %dma_start3A_117] : memref<32x1024xf32, #tpu.memory_space<vmem>> -> memref<1x1024xf32, #tpu.memory_space<vmem>>
          %dma_start3A_119 = arith.constant 0 : i32
          %dma_start3A_120 = tpu.memref_slice %arg3[%add3A_115, %dma_start3A_119] : memref<4096x1024xf32, #tpu.memory_space<hbm>> -> memref<1x1024xf32, #tpu.memory_space<hbm>>
          %dma_start3A_121 = arith.constant 0 : i32
          %dma_start3A_122 = arith.constant 0 : i32
          %dma_start3A_123 = tpu.memref_slice %arg8[%dma_start3A_121, %dma_start3A_122] : memref<32x1024xf32, #tpu.memory_space<vmem>> -> memref<1x1024xf32, #tpu.memory_space<vmem>>
          %dma_start3A_124 = arith.constant 0 : i32
          %dma_start3A_125 = tpu.memref_slice %arg3[%add3A_115, %dma_start3A_124] : memref<4096x1024xf32, #tpu.memory_space<hbm>> -> memref<1x1024xf32, #tpu.memory_space<hbm>>
          tpu.enqueue_dma source(%dma_start3A_125 : memref<1x1024xf32, #tpu.memory_space<hbm>>) target(%dma_start3A_123 : memref<1x1024xf32, #tpu.memory_space<vmem>>) target_semaphore(%run_scoped3A : memref<!tpu.dma_semaphore, #tpu.memory_space<semaphore_mem>>)
          %dma_wait3A_126 = arith.constant 0 : i32
          %dma_wait3A_127 = arith.constant 0 : i32
          %dma_wait3A_128 = tpu.memref_slice %arg8[%dma_wait3A_126, %dma_wait3A_127] : memref<32x1024xf32, #tpu.memory_space<vmem>> -> memref<1x1024xf32, #tpu.memory_space<vmem>>
          %dma_wait3A_129 = arith.constant 0 : i32
          %dma_wait3A_130 = tpu.memref_slice %arg3[%add3A_115, %dma_wait3A_129] : memref<4096x1024xf32, #tpu.memory_space<hbm>> -> memref<1x1024xf32, #tpu.memory_space<hbm>>
          %dma_wait3A_131 = arith.constant 0 : i32
          %dma_wait3A_132 = arith.constant 0 : i32
          %dma_wait3A_133 = tpu.memref_slice %arg8[%dma_wait3A_131, %dma_wait3A_132] : memref<32x1024xf32, #tpu.memory_space<vmem>> -> memref<1x1024xf32, #tpu.memory_space<vmem>>
          %dma_wait3A_134 = arith.constant 0 : i32
          %dma_wait3A_135 = tpu.memref_slice %arg3[%add3A_115, %dma_wait3A_134] : memref<4096x1024xf32, #tpu.memory_space<hbm>> -> memref<1x1024xf32, #tpu.memory_space<hbm>>
          tpu.wait_dma2 semaphore(%run_scoped3A : memref<!tpu.dma_semaphore, #tpu.memory_space<semaphore_mem>>) src(%dma_wait3A_135 : memref<1x1024xf32, #tpu.memory_space<hbm>>) dst(%dma_wait3A_133 : memref<1x1024xf32, #tpu.memory_space<vmem>>)
          tpu.yield
        }) : () -> ()
      } else {
      }
      %eq3A_30 = arith.constant 2 : i32
      %eq3A_31 = arith.cmpi eq, %shift_right_arithmetic3A_26, %eq3A_30 : i32
      %convert_element_type3A_32 = arith.extui %eq3A_31 : i1 to i32
      %cond3A_33 = arith.constant 0 : i32
      %cond3A_34 = arith.cmpi ne, %convert_element_type3A_32, %cond3A_33 : i32
      scf.if %cond3A_34 {
        %add3A_114 = arith.constant 0 : i32
        %add3A_115 = arith.addi %add3A_11, %add3A_114 : i32
        %add3A_116 = arith.constant 0 : i32
        %add3A_117 = arith.addi %add3A_116, %and3A_27 : i32
        "tpu.region"() ({
          %run_scoped3A = tpu.sem_alloc : memref<!tpu.dma_semaphore, #tpu.memory_space<semaphore_mem>>
          %dma_start3A_118 = arith.constant 0 : i32
          %dma_start3A_119 = tpu.memref_slice %arg8[%add3A_117, %dma_start3A_118] : memref<32x1024xf32, #tpu.memory_space<vmem>> -> memref<1x1024xf32, #tpu.memory_space<vmem>>
          %dma_start3A_120 = arith.constant 0 : i32
          %dma_start3A_121 = tpu.memref_slice %arg4[%add3A_115, %dma_start3A_120] : memref<4096x1024xf32, #tpu.memory_space<hbm>> -> memref<1x1024xf32, #tpu.memory_space<hbm>>
          %dma_start3A_122 = arith.constant 0 : i32
          %dma_start3A_123 = tpu.memref_slice %arg8[%add3A_117, %dma_start3A_122] : memref<32x1024xf32, #tpu.memory_space<vmem>> -> memref<1x1024xf32, #tpu.memory_space<vmem>>
          %dma_start3A_124 = arith.constant 0 : i32
          %dma_start3A_125 = tpu.memref_slice %arg4[%add3A_115, %dma_start3A_124] : memref<4096x1024xf32, #tpu.memory_space<hbm>> -> memref<1x1024xf32, #tpu.memory_space<hbm>>
          tpu.enqueue_dma source(%dma_start3A_125 : memref<1x1024xf32, #tpu.memory_space<hbm>>) target(%dma_start3A_123 : memref<1x1024xf32, #tpu.memory_space<vmem>>) target_semaphore(%run_scoped3A : memref<!tpu.dma_semaphore, #tpu.memory_space<semaphore_mem>>)
          %dma_wait3A_126 = arith.constant 0 : i32
          %dma_wait3A_127 = tpu.memref_slice %arg8[%add3A_117, %dma_wait3A_126] : memref<32x1024xf32, #tpu.memory_space<vmem>> -> memref<1x1024xf32, #tpu.memory_space<vmem>>
          %dma_wait3A_128 = arith.constant 0 : i32
          %dma_wait3A_129 = tpu.memref_slice %arg4[%add3A_115, %dma_wait3A_128] : memref<4096x1024xf32, #tpu.memory_space<hbm>> -> memref<1x1024xf32, #tpu.memory_space<hbm>>
          %dma_wait3A_130 = arith.constant 0 : i32
          %dma_wait3A_131 = tpu.memref_slice %arg8[%add3A_117, %dma_wait3A_130] : memref<32x1024xf32, #tpu.memory_space<vmem>> -> memref<1x1024xf32, #tpu.memory_space<vmem>>
          %dma_wait3A_132 = arith.constant 0 : i32
          %dma_wait3A_133 = tpu.memref_slice %arg4[%add3A_115, %dma_wait3A_132] : memref<4096x1024xf32, #tpu.memory_space<hbm>> -> memref<1x1024xf32, #tpu.memory_space<hbm>>
          tpu.wait_dma2 semaphore(%run_scoped3A : memref<!tpu.dma_semaphore, #tpu.memory_space<semaphore_mem>>) src(%dma_wait3A_133 : memref<1x1024xf32, #tpu.memory_space<hbm>>) dst(%dma_wait3A_131 : memref<1x1024xf32, #tpu.memory_space<vmem>>)
          tpu.yield
        }) : () -> ()
      } else {
      }
      %mul3A_35 = arith.constant 4 : i32
      %mul3A_36 = arith.muli %scan3A_8, %mul3A_35 : i32
      %add3A_37 = arith.constant 1 : i32
      %add3A_38 = arith.addi %mul3A_36, %add3A_37 : i32
      %get3A_39 = arith.index_cast %add3A_38 : i32 to index
      %get3A_40 = tpu.vector_load %arg9[%get3A_39] {strides = array<i32>} : memref<144xi32, #tpu.memory_space<vmem>>, vector<16xi32>,
      %get3A_41 = vector.shape_cast %get3A_40 : vector<16xi32> to vector<16xi32>
      %slice3A_42 = vector.extract_strided_slice %get3A_41 {offsets = [0], sizes = [1], strides = [1]} : vector<16xi32> to vector<1xi32>
      %squeeze3A_43 = vector.extract %slice3A_42[0] : i32 from vector<1xi32>
      %shift_right_arithmetic3A_44 = arith.constant 4 : i32
      %shift_right_arithmetic3A_45 = arith.shrsi %squeeze3A_43, %shift_right_arithmetic3A_44 : i32
      %and3A_46 = arith.constant 15 : i32
      %and3A_47 = arith.andi %squeeze3A_43, %and3A_46 : i32
      %eq3A_48 = arith.constant 1 : i32
      %eq3A_49 = arith.cmpi eq, %shift_right_arithmetic3A_45, %eq3A_48 : i32
      %convert_element_type3A_50 = arith.extui %eq3A_49 : i1 to i32
      %cond3A_51 = arith.constant 0 : i32
      %cond3A_52 = arith.cmpi ne, %convert_element_type3A_50, %cond3A_51 : i32
      scf.if %cond3A_52 {
        "tpu.region"() ({
          %run_scoped3A = tpu.sem_alloc : memref<!tpu.dma_semaphore, #tpu.memory_space<semaphore_mem>>
          %dma_start3A_116 = arith.constant 9 : i32
          %dma_start3A_117 = arith.constant 0 : i32
          %dma_start3A_118 = tpu.memref_slice %arg8[%dma_start3A_116, %dma_start3A_117] : memref<32x1024xf32, #tpu.memory_space<vmem>> -> memref<7x1024xf32, #tpu.memory_space<vmem>>
          %dma_start3A_119 = arith.constant 0 : i32
          %dma_start3A_120 = arith.constant 0 : i32
          %dma_start3A_121 = tpu.memref_slice %arg6[%dma_start3A_119, %dma_start3A_120] : memref<8x1024xf32, #tpu.memory_space<hbm>> -> memref<7x1024xf32, #tpu.memory_space<hbm>>
          %dma_start3A_122 = arith.constant 9 : i32
          %dma_start3A_123 = arith.constant 0 : i32
          %dma_start3A_124 = tpu.memref_slice %arg8[%dma_start3A_122, %dma_start3A_123] : memref<32x1024xf32, #tpu.memory_space<vmem>> -> memref<7x1024xf32, #tpu.memory_space<vmem>>
          %dma_start3A_125 = arith.constant 0 : i32
          %dma_start3A_126 = arith.constant 0 : i32
          %dma_start3A_127 = tpu.memref_slice %arg6[%dma_start3A_125, %dma_start3A_126] : memref<8x1024xf32, #tpu.memory_space<hbm>> -> memref<7x1024xf32, #tpu.memory_space<hbm>>
          tpu.enqueue_dma source(%dma_start3A_127 : memref<7x1024xf32, #tpu.memory_space<hbm>>) target(%dma_start3A_124 : memref<7x1024xf32, #tpu.memory_space<vmem>>) target_semaphore(%run_scoped3A : memref<!tpu.dma_semaphore, #tpu.memory_space<semaphore_mem>>)
          %dma_wait3A_128 = arith.constant 9 : i32
          %dma_wait3A_129 = arith.constant 0 : i32
          %dma_wait3A_130 = tpu.memref_slice %arg8[%dma_wait3A_128, %dma_wait3A_129] : memref<32x1024xf32, #tpu.memory_space<vmem>> -> memref<7x1024xf32, #tpu.memory_space<vmem>>
          %dma_wait3A_131 = arith.constant 0 : i32
          %dma_wait3A_132 = arith.constant 0 : i32
          %dma_wait3A_133 = tpu.memref_slice %arg6[%dma_wait3A_131, %dma_wait3A_132] : memref<8x1024xf32, #tpu.memory_space<hbm>> -> memref<7x1024xf32, #tpu.memory_space<hbm>>
          %dma_wait3A_134 = arith.constant 9 : i32
          %dma_wait3A_135 = arith.constant 0 : i32
          %dma_wait3A_136 = tpu.memref_slice %arg8[%dma_wait3A_134, %dma_wait3A_135] : memref<32x1024xf32, #tpu.memory_space<vmem>> -> memref<7x1024xf32, #tpu.memory_space<vmem>>
          %dma_wait3A_137 = arith.constant 0 : i32
          %dma_wait3A_138 = arith.constant 0 : i32
          %dma_wait3A_139 = tpu.memref_slice %arg6[%dma_wait3A_137, %dma_wait3A_138] : memref<8x1024xf32, #tpu.memory_space<hbm>> -> memref<7x1024xf32, #tpu.memory_space<hbm>>
          tpu.wait_dma2 semaphore(%run_scoped3A : memref<!tpu.dma_semaphore, #tpu.memory_space<semaphore_mem>>) src(%dma_wait3A_139 : memref<7x1024xf32, #tpu.memory_space<hbm>>) dst(%dma_wait3A_136 : memref<7x1024xf32, #tpu.memory_space<vmem>>)
          tpu.yield
        }) : () -> ()
        %add3A_114 = arith.constant 1 : i32
        %add3A_115 = arith.addi %add3A_11, %add3A_114 : i32
        "tpu.region"() ({
          %run_scoped3A = tpu.sem_alloc : memref<!tpu.dma_semaphore, #tpu.memory_space<semaphore_mem>>
          %dma_start3A_116 = arith.constant 8 : i32
          %dma_start3A_117 = arith.constant 0 : i32
          %dma_start3A_118 = tpu.memref_slice %arg8[%dma_start3A_116, %dma_start3A_117] : memref<32x1024xf32, #tpu.memory_space<vmem>> -> memref<1x1024xf32, #tpu.memory_space<vmem>>
          %dma_start3A_119 = arith.constant 0 : i32
          %dma_start3A_120 = tpu.memref_slice %arg3[%add3A_115, %dma_start3A_119] : memref<4096x1024xf32, #tpu.memory_space<hbm>> -> memref<1x1024xf32, #tpu.memory_space<hbm>>
          %dma_start3A_121 = arith.constant 8 : i32
          %dma_start3A_122 = arith.constant 0 : i32
          %dma_start3A_123 = tpu.memref_slice %arg8[%dma_start3A_121, %dma_start3A_122] : memref<32x1024xf32, #tpu.memory_space<vmem>> -> memref<1x1024xf32, #tpu.memory_space<vmem>>
          %dma_start3A_124 = arith.constant 0 : i32
          %dma_start3A_125 = tpu.memref_slice %arg3[%add3A_115, %dma_start3A_124] : memref<4096x1024xf32, #tpu.memory_space<hbm>> -> memref<1x1024xf32, #tpu.memory_space<hbm>>
          tpu.enqueue_dma source(%dma_start3A_125 : memref<1x1024xf32, #tpu.memory_space<hbm>>) target(%dma_start3A_123 : memref<1x1024xf32, #tpu.memory_space<vmem>>) target_semaphore(%run_scoped3A : memref<!tpu.dma_semaphore, #tpu.memory_space<semaphore_mem>>)
          %dma_wait3A_126 = arith.constant 8 : i32
          %dma_wait3A_127 = arith.constant 0 : i32
          %dma_wait3A_128 = tpu.memref_slice %arg8[%dma_wait3A_126, %dma_wait3A_127] : memref<32x1024xf32, #tpu.memory_space<vmem>> -> memref<1x1024xf32, #tpu.memory_space<vmem>>
          %dma_wait3A_129 = arith.constant 0 : i32
          %dma_wait3A_130 = tpu.memref_slice %arg3[%add3A_115, %dma_wait3A_129] : memref<4096x1024xf32, #tpu.memory_space<hbm>> -> memref<1x1024xf32, #tpu.memory_space<hbm>>
          %dma_wait3A_131 = arith.constant 8 : i32
          %dma_wait3A_132 = arith.constant 0 : i32
          %dma_wait3A_133 = tpu.memref_slice %arg8[%dma_wait3A_131, %dma_wait3A_132] : memref<32x1024xf32, #tpu.memory_space<vmem>> -> memref<1x1024xf32, #tpu.memory_space<vmem>>
          %dma_wait3A_134 = arith.constant 0 : i32
          %dma_wait3A_135 = tpu.memref_slice %arg3[%add3A_115, %dma_wait3A_134] : memref<4096x1024xf32, #tpu.memory_space<hbm>> -> memref<1x1024xf32, #tpu.memory_space<hbm>>
          tpu.wait_dma2 semaphore(%run_scoped3A : memref<!tpu.dma_semaphore, #tpu.memory_space<semaphore_mem>>) src(%dma_wait3A_135 : memref<1x1024xf32, #tpu.memory_space<hbm>>) dst(%dma_wait3A_133 : memref<1x1024xf32, #tpu.memory_space<vmem>>)
          tpu.yield
        }) : () -> ()
      } else {
      }
      %eq3A_53 = arith.constant 2 : i32
      %eq3A_54 = arith.cmpi eq, %shift_right_arithmetic3A_45, %eq3A_53 : i32
      %convert_element_type3A_55 = arith.extui %eq3A_54 : i1 to i32
      %cond3A_56 = arith.constant 0 : i32
      %cond3A_57 = arith.cmpi ne, %convert_element_type3A_55, %cond3A_56 : i32
      scf.if %cond3A_57 {
        %add3A_114 = arith.constant 1 : i32
        %add3A_115 = arith.addi %add3A_11, %add3A_114 : i32
        %add3A_116 = arith.constant 8 : i32
        %add3A_117 = arith.addi %add3A_116, %and3A_47 : i32
        "tpu.region"() ({
          %run_scoped3A = tpu.sem_alloc : memref<!tpu.dma_semaphore, #tpu.memory_space<semaphore_mem>>
          %dma_start3A_118 = arith.constant 0 : i32
          %dma_start3A_119 = tpu.memref_slice %arg8[%add3A_117, %dma_start3A_118] : memref<32x1024xf32, #tpu.memory_space<vmem>> -> memref<1x1024xf32, #tpu.memory_space<vmem>>
          %dma_start3A_120 = arith.constant 0 : i32
          %dma_start3A_121 = tpu.memref_slice %arg4[%add3A_115, %dma_start3A_120] : memref<4096x1024xf32, #tpu.memory_space<hbm>> -> memref<1x1024xf32, #tpu.memory_space<hbm>>
          %dma_start3A_122 = arith.constant 0 : i32
          %dma_start3A_123 = tpu.memref_slice %arg8[%add3A_117, %dma_start3A_122] : memref<32x1024xf32, #tpu.memory_space<vmem>> -> memref<1x1024xf32, #tpu.memory_space<vmem>>
          %dma_start3A_124 = arith.constant 0 : i32
          %dma_start3A_125 = tpu.memref_slice %arg4[%add3A_115, %dma_start3A_124] : memref<4096x1024xf32, #tpu.memory_space<hbm>> -> memref<1x1024xf32, #tpu.memory_space<hbm>>
          tpu.enqueue_dma source(%dma_start3A_125 : memref<1x1024xf32, #tpu.memory_space<hbm>>) target(%dma_start3A_123 : memref<1x1024xf32, #tpu.memory_space<vmem>>) target_semaphore(%run_scoped3A : memref<!tpu.dma_semaphore, #tpu.memory_space<semaphore_mem>>)
          %dma_wait3A_126 = arith.constant 0 : i32
          %dma_wait3A_127 = tpu.memref_slice %arg8[%add3A_117, %dma_wait3A_126] : memref<32x1024xf32, #tpu.memory_space<vmem>> -> memref<1x1024xf32, #tpu.memory_space<vmem>>
          %dma_wait3A_128 = arith.constant 0 : i32
          %dma_wait3A_129 = tpu.memref_slice %arg4[%add3A_115, %dma_wait3A_128] : memref<4096x1024xf32, #tpu.memory_space<hbm>> -> memref<1x1024xf32, #tpu.memory_space<hbm>>
          %dma_wait3A_130 = arith.constant 0 : i32
          %dma_wait3A_131 = tpu.memref_slice %arg8[%add3A_117, %dma_wait3A_130] : memref<32x1024xf32, #tpu.memory_space<vmem>> -> memref<1x1024xf32, #tpu.memory_space<vmem>>
          %dma_wait3A_132 = arith.constant 0 : i32
          %dma_wait3A_133 = tpu.memref_slice %arg4[%add3A_115, %dma_wait3A_132] : memref<4096x1024xf32, #tpu.memory_space<hbm>> -> memref<1x1024xf32, #tpu.memory_space<hbm>>
          tpu.wait_dma2 semaphore(%run_scoped3A : memref<!tpu.dma_semaphore, #tpu.memory_space<semaphore_mem>>) src(%dma_wait3A_133 : memref<1x1024xf32, #tpu.memory_space<hbm>>) dst(%dma_wait3A_131 : memref<1x1024xf32, #tpu.memory_space<vmem>>)
          tpu.yield
        }) : () -> ()
      } else {
      }
      %mul3A_58 = arith.constant 4 : i32
      %mul3A_59 = arith.muli %scan3A_8, %mul3A_58 : i32
      %add3A_60 = arith.constant 2 : i32
      %add3A_61 = arith.addi %mul3A_59, %add3A_60 : i32
      %get3A_62 = arith.index_cast %add3A_61 : i32 to index
      %get3A_63 = tpu.vector_load %arg9[%get3A_62] {strides = array<i32>} : memref<144xi32, #tpu.memory_space<vmem>>, vector<16xi32>,
      %get3A_64 = vector.shape_cast %get3A_63 : vector<16xi32> to vector<16xi32>
      %slice3A_65 = vector.extract_strided_slice %get3A_64 {offsets = [0], sizes = [1], strides = [1]} : vector<16xi32> to vector<1xi32>
      %squeeze3A_66 = vector.extract %slice3A_65[0] : i32 from vector<1xi32>
      %shift_right_arithmetic3A_67 = arith.constant 4 : i32
      %shift_right_arithmetic3A_68 = arith.shrsi %squeeze3A_66, %shift_right_arithmetic3A_67 : i32
      %and3A_69 = arith.constant 15 : i32
      %and3A_70 = arith.andi %squeeze3A_66, %and3A_69 : i32
      %eq3A_71 = arith.constant 1 : i32
      %eq3A_72 = arith.cmpi eq, %shift_right_arithmetic3A_68, %eq3A_71 : i32
      %convert_element_type3A_73 = arith.extui %eq3A_72 : i1 to i32
      %cond3A_74 = arith.constant 0 : i32
      %cond3A_75 = arith.cmpi ne, %convert_element_type3A_73, %cond3A_74 : i32
      scf.if %cond3A_75 {
        "tpu.region"() ({
          %run_scoped3A = tpu.sem_alloc : memref<!tpu.dma_semaphore, #tpu.memory_space<semaphore_mem>>
          %dma_start3A_116 = arith.constant 17 : i32
          %dma_start3A_117 = arith.constant 0 : i32
          %dma_start3A_118 = tpu.memref_slice %arg8[%dma_start3A_116, %dma_start3A_117] : memref<32x1024xf32, #tpu.memory_space<vmem>> -> memref<7x1024xf32, #tpu.memory_space<vmem>>
          %dma_start3A_119 = arith.constant 0 : i32
          %dma_start3A_120 = arith.constant 0 : i32
          %dma_start3A_121 = tpu.memref_slice %arg6[%dma_start3A_119, %dma_start3A_120] : memref<8x1024xf32, #tpu.memory_space<hbm>> -> memref<7x1024xf32, #tpu.memory_space<hbm>>
          %dma_start3A_122 = arith.constant 17 : i32
          %dma_start3A_123 = arith.constant 0 : i32
          %dma_start3A_124 = tpu.memref_slice %arg8[%dma_start3A_122, %dma_start3A_123] : memref<32x1024xf32, #tpu.memory_space<vmem>> -> memref<7x1024xf32, #tpu.memory_space<vmem>>
          %dma_start3A_125 = arith.constant 0 : i32
          %dma_start3A_126 = arith.constant 0 : i32
          %dma_start3A_127 = tpu.memref_slice %arg6[%dma_start3A_125, %dma_start3A_126] : memref<8x1024xf32, #tpu.memory_space<hbm>> -> memref<7x1024xf32, #tpu.memory_space<hbm>>
          tpu.enqueue_dma source(%dma_start3A_127 : memref<7x1024xf32, #tpu.memory_space<hbm>>) target(%dma_start3A_124 : memref<7x1024xf32, #tpu.memory_space<vmem>>) target_semaphore(%run_scoped3A : memref<!tpu.dma_semaphore, #tpu.memory_space<semaphore_mem>>)
          %dma_wait3A_128 = arith.constant 17 : i32
          %dma_wait3A_129 = arith.constant 0 : i32
          %dma_wait3A_130 = tpu.memref_slice %arg8[%dma_wait3A_128, %dma_wait3A_129] : memref<32x1024xf32, #tpu.memory_space<vmem>> -> memref<7x1024xf32, #tpu.memory_space<vmem>>
          %dma_wait3A_131 = arith.constant 0 : i32
          %dma_wait3A_132 = arith.constant 0 : i32
          %dma_wait3A_133 = tpu.memref_slice %arg6[%dma_wait3A_131, %dma_wait3A_132] : memref<8x1024xf32, #tpu.memory_space<hbm>> -> memref<7x1024xf32, #tpu.memory_space<hbm>>
          %dma_wait3A_134 = arith.constant 17 : i32
          %dma_wait3A_135 = arith.constant 0 : i32
          %dma_wait3A_136 = tpu.memref_slice %arg8[%dma_wait3A_134, %dma_wait3A_135] : memref<32x1024xf32, #tpu.memory_space<vmem>> -> memref<7x1024xf32, #tpu.memory_space<vmem>>
          %dma_wait3A_137 = arith.constant 0 : i32
          %dma_wait3A_138 = arith.constant 0 : i32
          %dma_wait3A_139 = tpu.memref_slice %arg6[%dma_wait3A_137, %dma_wait3A_138] : memref<8x1024xf32, #tpu.memory_space<hbm>> -> memref<7x1024xf32, #tpu.memory_space<hbm>>
          tpu.wait_dma2 semaphore(%run_scoped3A : memref<!tpu.dma_semaphore, #tpu.memory_space<semaphore_mem>>) src(%dma_wait3A_139 : memref<7x1024xf32, #tpu.memory_space<hbm>>) dst(%dma_wait3A_136 : memref<7x1024xf32, #tpu.memory_space<vmem>>)
          tpu.yield
        }) : () -> ()
        %add3A_114 = arith.constant 2 : i32
        %add3A_115 = arith.addi %add3A_11, %add3A_114 : i32
        "tpu.region"() ({
          %run_scoped3A = tpu.sem_alloc : memref<!tpu.dma_semaphore, #tpu.memory_space<semaphore_mem>>
          %dma_start3A_116 = arith.constant 16 : i32
          %dma_start3A_117 = arith.constant 0 : i32
          %dma_start3A_118 = tpu.memref_slice %arg8[%dma_start3A_116, %dma_start3A_117] : memref<32x1024xf32, #tpu.memory_space<vmem>> -> memref<1x1024xf32, #tpu.memory_space<vmem>>
          %dma_start3A_119 = arith.constant 0 : i32
          %dma_start3A_120 = tpu.memref_slice %arg3[%add3A_115, %dma_start3A_119] : memref<4096x1024xf32, #tpu.memory_space<hbm>> -> memref<1x1024xf32, #tpu.memory_space<hbm>>
          %dma_start3A_121 = arith.constant 16 : i32
          %dma_start3A_122 = arith.constant 0 : i32
          %dma_start3A_123 = tpu.memref_slice %arg8[%dma_start3A_121, %dma_start3A_122] : memref<32x1024xf32, #tpu.memory_space<vmem>> -> memref<1x1024xf32, #tpu.memory_space<vmem>>
          %dma_start3A_124 = arith.constant 0 : i32
          %dma_start3A_125 = tpu.memref_slice %arg3[%add3A_115, %dma_start3A_124] : memref<4096x1024xf32, #tpu.memory_space<hbm>> -> memref<1x1024xf32, #tpu.memory_space<hbm>>
          tpu.enqueue_dma source(%dma_start3A_125 : memref<1x1024xf32, #tpu.memory_space<hbm>>) target(%dma_start3A_123 : memref<1x1024xf32, #tpu.memory_space<vmem>>) target_semaphore(%run_scoped3A : memref<!tpu.dma_semaphore, #tpu.memory_space<semaphore_mem>>)
          %dma_wait3A_126 = arith.constant 16 : i32
          %dma_wait3A_127 = arith.constant 0 : i32
          %dma_wait3A_128 = tpu.memref_slice %arg8[%dma_wait3A_126, %dma_wait3A_127] : memref<32x1024xf32, #tpu.memory_space<vmem>> -> memref<1x1024xf32, #tpu.memory_space<vmem>>
          %dma_wait3A_129 = arith.constant 0 : i32
          %dma_wait3A_130 = tpu.memref_slice %arg3[%add3A_115, %dma_wait3A_129] : memref<4096x1024xf32, #tpu.memory_space<hbm>> -> memref<1x1024xf32, #tpu.memory_space<hbm>>
          %dma_wait3A_131 = arith.constant 16 : i32
          %dma_wait3A_132 = arith.constant 0 : i32
          %dma_wait3A_133 = tpu.memref_slice %arg8[%dma_wait3A_131, %dma_wait3A_132] : memref<32x1024xf32, #tpu.memory_space<vmem>> -> memref<1x1024xf32, #tpu.memory_space<vmem>>
          %dma_wait3A_134 = arith.constant 0 : i32
          %dma_wait3A_135 = tpu.memref_slice %arg3[%add3A_115, %dma_wait3A_134] : memref<4096x1024xf32, #tpu.memory_space<hbm>> -> memref<1x1024xf32, #tpu.memory_space<hbm>>
          tpu.wait_dma2 semaphore(%run_scoped3A : memref<!tpu.dma_semaphore, #tpu.memory_space<semaphore_mem>>) src(%dma_wait3A_135 : memref<1x1024xf32, #tpu.memory_space<hbm>>) dst(%dma_wait3A_133 : memref<1x1024xf32, #tpu.memory_space<vmem>>)
          tpu.yield
        }) : () -> ()
      } else {
      }
      %eq3A_76 = arith.constant 2 : i32
      %eq3A_77 = arith.cmpi eq, %shift_right_arithmetic3A_68, %eq3A_76 : i32
      %convert_element_type3A_78 = arith.extui %eq3A_77 : i1 to i32
      %cond3A_79 = arith.constant 0 : i32
      %cond3A_80 = arith.cmpi ne, %convert_element_type3A_78, %cond3A_79 : i32
      scf.if %cond3A_80 {
        %add3A_114 = arith.constant 2 : i32
        %add3A_115 = arith.addi %add3A_11, %add3A_114 : i32
        %add3A_116 = arith.constant 16 : i32
        %add3A_117 = arith.addi %add3A_116, %and3A_70 : i32
        "tpu.region"() ({
          %run_scoped3A = tpu.sem_alloc : memref<!tpu.dma_semaphore, #tpu.memory_space<semaphore_mem>>
          %dma_start3A_118 = arith.constant 0 : i32
          %dma_start3A_119 = tpu.memref_slice %arg8[%add3A_117, %dma_start3A_118] : memref<32x1024xf32, #tpu.memory_space<vmem>> -> memref<1x1024xf32, #tpu.memory_space<vmem>>
          %dma_start3A_120 = arith.constant 0 : i32
          %dma_start3A_121 = tpu.memref_slice %arg4[%add3A_115, %dma_start3A_120] : memref<4096x1024xf32, #tpu.memory_space<hbm>> -> memref<1x1024xf32, #tpu.memory_space<hbm>>
          %dma_start3A_122 = arith.constant 0 : i32
          %dma_start3A_123 = tpu.memref_slice %arg8[%add3A_117, %dma_start3A_122] : memref<32x1024xf32, #tpu.memory_space<vmem>> -> memref<1x1024xf32, #tpu.memory_space<vmem>>
          %dma_start3A_124 = arith.constant 0 : i32
          %dma_start3A_125 = tpu.memref_slice %arg4[%add3A_115, %dma_start3A_124] : memref<4096x1024xf32, #tpu.memory_space<hbm>> -> memref<1x1024xf32, #tpu.memory_space<hbm>>
          tpu.enqueue_dma source(%dma_start3A_125 : memref<1x1024xf32, #tpu.memory_space<hbm>>) target(%dma_start3A_123 : memref<1x1024xf32, #tpu.memory_space<vmem>>) target_semaphore(%run_scoped3A : memref<!tpu.dma_semaphore, #tpu.memory_space<semaphore_mem>>)
          %dma_wait3A_126 = arith.constant 0 : i32
          %dma_wait3A_127 = tpu.memref_slice %arg8[%add3A_117, %dma_wait3A_126] : memref<32x1024xf32, #tpu.memory_space<vmem>> -> memref<1x1024xf32, #tpu.memory_space<vmem>>
          %dma_wait3A_128 = arith.constant 0 : i32
          %dma_wait3A_129 = tpu.memref_slice %arg4[%add3A_115, %dma_wait3A_128] : memref<4096x1024xf32, #tpu.memory_space<hbm>> -> memref<1x1024xf32, #tpu.memory_space<hbm>>
          %dma_wait3A_130 = arith.constant 0 : i32
          %dma_wait3A_131 = tpu.memref_slice %arg8[%add3A_117, %dma_wait3A_130] : memref<32x1024xf32, #tpu.memory_space<vmem>> -> memref<1x1024xf32, #tpu.memory_space<vmem>>
          %dma_wait3A_132 = arith.constant 0 : i32
          %dma_wait3A_133 = tpu.memref_slice %arg4[%add3A_115, %dma_wait3A_132] : memref<4096x1024xf32, #tpu.memory_space<hbm>> -> memref<1x1024xf32, #tpu.memory_space<hbm>>
          tpu.wait_dma2 semaphore(%run_scoped3A : memref<!tpu.dma_semaphore, #tpu.memory_space<semaphore_mem>>) src(%dma_wait3A_133 : memref<1x1024xf32, #tpu.memory_space<hbm>>) dst(%dma_wait3A_131 : memref<1x1024xf32, #tpu.memory_space<vmem>>)
          tpu.yield
        }) : () -> ()
      } else {
      }
      %mul3A_81 = arith.constant 4 : i32
      %mul3A_82 = arith.muli %scan3A_8, %mul3A_81 : i32
      %add3A_83 = arith.constant 3 : i32
      %add3A_84 = arith.addi %mul3A_82, %add3A_83 : i32
      %get3A_85 = arith.index_cast %add3A_84 : i32 to index
      %get3A_86 = tpu.vector_load %arg9[%get3A_85] {strides = array<i32>} : memref<144xi32, #tpu.memory_space<vmem>>, vector<16xi32>,
      %get3A_87 = vector.shape_cast %get3A_86 : vector<16xi32> to vector<16xi32>
      %slice3A_88 = vector.extract_strided_slice %get3A_87 {offsets = [0], sizes = [1], strides = [1]} : vector<16xi32> to vector<1xi32>
      %squeeze3A_89 = vector.extract %slice3A_88[0] : i32 from vector<1xi32>
      %shift_right_arithmetic3A_90 = arith.constant 4 : i32
      %shift_right_arithmetic3A_91 = arith.shrsi %squeeze3A_89, %shift_right_arithmetic3A_90 : i32
      %and3A_92 = arith.constant 15 : i32
      %and3A_93 = arith.andi %squeeze3A_89, %and3A_92 : i32
      %eq3A_94 = arith.constant 1 : i32
      %eq3A_95 = arith.cmpi eq, %shift_right_arithmetic3A_91, %eq3A_94 : i32
      %convert_element_type3A_96 = arith.extui %eq3A_95 : i1 to i32
      %cond3A_97 = arith.constant 0 : i32
      %cond3A_98 = arith.cmpi ne, %convert_element_type3A_96, %cond3A_97 : i32
      scf.if %cond3A_98 {
        "tpu.region"() ({
          %run_scoped3A = tpu.sem_alloc : memref<!tpu.dma_semaphore, #tpu.memory_space<semaphore_mem>>
          %dma_start3A_116 = arith.constant 25 : i32
          %dma_start3A_117 = arith.constant 0 : i32
          %dma_start3A_118 = tpu.memref_slice %arg8[%dma_start3A_116, %dma_start3A_117] : memref<32x1024xf32, #tpu.memory_space<vmem>> -> memref<7x1024xf32, #tpu.memory_space<vmem>>
          %dma_start3A_119 = arith.constant 0 : i32
          %dma_start3A_120 = arith.constant 0 : i32
          %dma_start3A_121 = tpu.memref_slice %arg6[%dma_start3A_119, %dma_start3A_120] : memref<8x1024xf32, #tpu.memory_space<hbm>> -> memref<7x1024xf32, #tpu.memory_space<hbm>>
          %dma_start3A_122 = arith.constant 25 : i32
          %dma_start3A_123 = arith.constant 0 : i32
          %dma_start3A_124 = tpu.memref_slice %arg8[%dma_start3A_122, %dma_start3A_123] : memref<32x1024xf32, #tpu.memory_space<vmem>> -> memref<7x1024xf32, #tpu.memory_space<vmem>>
          %dma_start3A_125 = arith.constant 0 : i32
          %dma_start3A_126 = arith.constant 0 : i32
          %dma_start3A_127 = tpu.memref_slice %arg6[%dma_start3A_125, %dma_start3A_126] : memref<8x1024xf32, #tpu.memory_space<hbm>> -> memref<7x1024xf32, #tpu.memory_space<hbm>>
          tpu.enqueue_dma source(%dma_start3A_127 : memref<7x1024xf32, #tpu.memory_space<hbm>>) target(%dma_start3A_124 : memref<7x1024xf32, #tpu.memory_space<vmem>>) target_semaphore(%run_scoped3A : memref<!tpu.dma_semaphore, #tpu.memory_space<semaphore_mem>>)
          %dma_wait3A_128 = arith.constant 25 : i32
          %dma_wait3A_129 = arith.constant 0 : i32
          %dma_wait3A_130 = tpu.memref_slice %arg8[%dma_wait3A_128, %dma_wait3A_129] : memref<32x1024xf32, #tpu.memory_space<vmem>> -> memref<7x1024xf32, #tpu.memory_space<vmem>>
          %dma_wait3A_131 = arith.constant 0 : i32
          %dma_wait3A_132 = arith.constant 0 : i32
          %dma_wait3A_133 = tpu.memref_slice %arg6[%dma_wait3A_131, %dma_wait3A_132] : memref<8x1024xf32, #tpu.memory_space<hbm>> -> memref<7x1024xf32, #tpu.memory_space<hbm>>
          %dma_wait3A_134 = arith.constant 25 : i32
          %dma_wait3A_135 = arith.constant 0 : i32
          %dma_wait3A_136 = tpu.memref_slice %arg8[%dma_wait3A_134, %dma_wait3A_135] : memref<32x1024xf32, #tpu.memory_space<vmem>> -> memref<7x1024xf32, #tpu.memory_space<vmem>>
          %dma_wait3A_137 = arith.constant 0 : i32
          %dma_wait3A_138 = arith.constant 0 : i32
          %dma_wait3A_139 = tpu.memref_slice %arg6[%dma_wait3A_137, %dma_wait3A_138] : memref<8x1024xf32, #tpu.memory_space<hbm>> -> memref<7x1024xf32, #tpu.memory_space<hbm>>
          tpu.wait_dma2 semaphore(%run_scoped3A : memref<!tpu.dma_semaphore, #tpu.memory_space<semaphore_mem>>) src(%dma_wait3A_139 : memref<7x1024xf32, #tpu.memory_space<hbm>>) dst(%dma_wait3A_136 : memref<7x1024xf32, #tpu.memory_space<vmem>>)
          tpu.yield
        }) : () -> ()
        %add3A_114 = arith.constant 3 : i32
        %add3A_115 = arith.addi %add3A_11, %add3A_114 : i32
        "tpu.region"() ({
          %run_scoped3A = tpu.sem_alloc : memref<!tpu.dma_semaphore, #tpu.memory_space<semaphore_mem>>
          %dma_start3A_116 = arith.constant 24 : i32
          %dma_start3A_117 = arith.constant 0 : i32
          %dma_start3A_118 = tpu.memref_slice %arg8[%dma_start3A_116, %dma_start3A_117] : memref<32x1024xf32, #tpu.memory_space<vmem>> -> memref<1x1024xf32, #tpu.memory_space<vmem>>
          %dma_start3A_119 = arith.constant 0 : i32
          %dma_start3A_120 = tpu.memref_slice %arg3[%add3A_115, %dma_start3A_119] : memref<4096x1024xf32, #tpu.memory_space<hbm>> -> memref<1x1024xf32, #tpu.memory_space<hbm>>
          %dma_start3A_121 = arith.constant 24 : i32
          %dma_start3A_122 = arith.constant 0 : i32
          %dma_start3A_123 = tpu.memref_slice %arg8[%dma_start3A_121, %dma_start3A_122] : memref<32x1024xf32, #tpu.memory_space<vmem>> -> memref<1x1024xf32, #tpu.memory_space<vmem>>
          %dma_start3A_124 = arith.constant 0 : i32
          %dma_start3A_125 = tpu.memref_slice %arg3[%add3A_115, %dma_start3A_124] : memref<4096x1024xf32, #tpu.memory_space<hbm>> -> memref<1x1024xf32, #tpu.memory_space<hbm>>
          tpu.enqueue_dma source(%dma_start3A_125 : memref<1x1024xf32, #tpu.memory_space<hbm>>) target(%dma_start3A_123 : memref<1x1024xf32, #tpu.memory_space<vmem>>) target_semaphore(%run_scoped3A : memref<!tpu.dma_semaphore, #tpu.memory_space<semaphore_mem>>)
          %dma_wait3A_126 = arith.constant 24 : i32
          %dma_wait3A_127 = arith.constant 0 : i32
          %dma_wait3A_128 = tpu.memref_slice %arg8[%dma_wait3A_126, %dma_wait3A_127] : memref<32x1024xf32, #tpu.memory_space<vmem>> -> memref<1x1024xf32, #tpu.memory_space<vmem>>
          %dma_wait3A_129 = arith.constant 0 : i32
          %dma_wait3A_130 = tpu.memref_slice %arg3[%add3A_115, %dma_wait3A_129] : memref<4096x1024xf32, #tpu.memory_space<hbm>> -> memref<1x1024xf32, #tpu.memory_space<hbm>>
          %dma_wait3A_131 = arith.constant 24 : i32
          %dma_wait3A_132 = arith.constant 0 : i32
          %dma_wait3A_133 = tpu.memref_slice %arg8[%dma_wait3A_131, %dma_wait3A_132] : memref<32x1024xf32, #tpu.memory_space<vmem>> -> memref<1x1024xf32, #tpu.memory_space<vmem>>
          %dma_wait3A_134 = arith.constant 0 : i32
          %dma_wait3A_135 = tpu.memref_slice %arg3[%add3A_115, %dma_wait3A_134] : memref<4096x1024xf32, #tpu.memory_space<hbm>> -> memref<1x1024xf32, #tpu.memory_space<hbm>>
          tpu.wait_dma2 semaphore(%run_scoped3A : memref<!tpu.dma_semaphore, #tpu.memory_space<semaphore_mem>>) src(%dma_wait3A_135 : memref<1x1024xf32, #tpu.memory_space<hbm>>) dst(%dma_wait3A_133 : memref<1x1024xf32, #tpu.memory_space<vmem>>)
          tpu.yield
        }) : () -> ()
      } else {
      }
      %eq3A_99 = arith.constant 2 : i32
      %eq3A_100 = arith.cmpi eq, %shift_right_arithmetic3A_91, %eq3A_99 : i32
      %convert_element_type3A_101 = arith.extui %eq3A_100 : i1 to i32
      %cond3A_102 = arith.constant 0 : i32
      %cond3A_103 = arith.cmpi ne, %convert_element_type3A_101, %cond3A_102 : i32
      scf.if %cond3A_103 {
        %add3A_114 = arith.constant 3 : i32
        %add3A_115 = arith.addi %add3A_11, %add3A_114 : i32
        %add3A_116 = arith.constant 24 : i32
        %add3A_117 = arith.addi %add3A_116, %and3A_93 : i32
        "tpu.region"() ({
          %run_scoped3A = tpu.sem_alloc : memref<!tpu.dma_semaphore, #tpu.memory_space<semaphore_mem>>
          %dma_start3A_118 = arith.constant 0 : i32
          %dma_start3A_119 = tpu.memref_slice %arg8[%add3A_117, %dma_start3A_118] : memref<32x1024xf32, #tpu.memory_space<vmem>> -> memref<1x1024xf32, #tpu.memory_space<vmem>>
          %dma_start3A_120 = arith.constant 0 : i32
          %dma_start3A_121 = tpu.memref_slice %arg4[%add3A_115, %dma_start3A_120] : memref<4096x1024xf32, #tpu.memory_space<hbm>> -> memref<1x1024xf32, #tpu.memory_space<hbm>>
          %dma_start3A_122 = arith.constant 0 : i32
          %dma_start3A_123 = tpu.memref_slice %arg8[%add3A_117, %dma_start3A_122] : memref<32x1024xf32, #tpu.memory_space<vmem>> -> memref<1x1024xf32, #tpu.memory_space<vmem>>
          %dma_start3A_124 = arith.constant 0 : i32
          %dma_start3A_125 = tpu.memref_slice %arg4[%add3A_115, %dma_start3A_124] : memref<4096x1024xf32, #tpu.memory_space<hbm>> -> memref<1x1024xf32, #tpu.memory_space<hbm>>
          tpu.enqueue_dma source(%dma_start3A_125 : memref<1x1024xf32, #tpu.memory_space<hbm>>) target(%dma_start3A_123 : memref<1x1024xf32, #tpu.memory_space<vmem>>) target_semaphore(%run_scoped3A : memref<!tpu.dma_semaphore, #tpu.memory_space<semaphore_mem>>)
          %dma_wait3A_126 = arith.constant 0 : i32
          %dma_wait3A_127 = tpu.memref_slice %arg8[%add3A_117, %dma_wait3A_126] : memref<32x1024xf32, #tpu.memory_space<vmem>> -> memref<1x1024xf32, #tpu.memory_space<vmem>>
          %dma_wait3A_128 = arith.constant 0 : i32
          %dma_wait3A_129 = tpu.memref_slice %arg4[%add3A_115, %dma_wait3A_128] : memref<4096x1024xf32, #tpu.memory_space<hbm>> -> memref<1x1024xf32, #tpu.memory_space<hbm>>
          %dma_wait3A_130 = arith.constant 0 : i32
          %dma_wait3A_131 = tpu.memref_slice %arg8[%add3A_117, %dma_wait3A_130] : memref<32x1024xf32, #tpu.memory_space<vmem>> -> memref<1x1024xf32, #tpu.memory_space<vmem>>
          %dma_wait3A_132 = arith.constant 0 : i32
          %dma_wait3A_133 = tpu.memref_slice %arg4[%add3A_115, %dma_wait3A_132] : memref<4096x1024xf32, #tpu.memory_space<hbm>> -> memref<1x1024xf32, #tpu.memory_space<hbm>>
          tpu.wait_dma2 semaphore(%run_scoped3A : memref<!tpu.dma_semaphore, #tpu.memory_space<semaphore_mem>>) src(%dma_wait3A_133 : memref<1x1024xf32, #tpu.memory_space<hbm>>) dst(%dma_wait3A_131 : memref<1x1024xf32, #tpu.memory_space<vmem>>)
          tpu.yield
        }) : () -> ()
      } else {
      }
      %mul3A_104 = arith.constant 8 : i32
      %mul3A_105 = arith.muli %add3A_11, %mul3A_104 : i32
      %dma_start3A_106 = arith.constant 0 : i32
      %dma_start3A_107 = tpu.memref_slice %arg7[%mul3A_105, %dma_start3A_106] : memref<32768x1024xf32, #tpu.memory_space<hbm>> -> memref<32x1024xf32, #tpu.memory_space<hbm>>
      %dma_start3A_108 = arith.constant 0 : i32
      %dma_start3A_109 = tpu.memref_slice %arg7[%mul3A_105, %dma_start3A_108] : memref<32768x1024xf32, #tpu.memory_space<hbm>> -> memref<32x1024xf32, #tpu.memory_space<hbm>>
      tpu.enqueue_dma source(%arg8 : memref<32x1024xf32, #tpu.memory_space<vmem>>) target(%dma_start3A_109 : memref<32x1024xf32, #tpu.memory_space<hbm>>) target_semaphore(%arg11 : memref<!tpu.dma_semaphore, #tpu.memory_space<semaphore_mem>>)
      %dma_wait3A_110 = arith.constant 0 : i32
      %dma_wait3A_111 = tpu.memref_slice %arg7[%mul3A_105, %dma_wait3A_110] : memref<32768x1024xf32, #tpu.memory_space<hbm>> -> memref<32x1024xf32, #tpu.memory_space<hbm>>
      %dma_wait3A_112 = arith.constant 0 : i32
      %dma_wait3A_113 = tpu.memref_slice %arg7[%mul3A_105, %dma_wait3A_112] : memref<32768x1024xf32, #tpu.memory_space<hbm>> -> memref<32x1024xf32, #tpu.memory_space<hbm>>
      tpu.wait_dma2 semaphore(%arg11 : memref<!tpu.dma_semaphore, #tpu.memory_space<semaphore_mem>>) src(%arg8 : memref<32x1024xf32, #tpu.memory_space<vmem>>) dst(%dma_wait3A_113 : memref<32x1024xf32, #tpu.memory_space<hbm>>)
    }
    %scan3A_7 = arith.constant 32 : i32
    return
  }
}

module attributes {stable_mosaic.version = 14 : i64} {
  func.func @_rotvec_body(%arg0: i32, %arg1: memref<512x1024xf32, #tpu.memory_space<vmem>>, %arg2: memref<1024x1024xf32, #tpu.memory_space<vmem>>, %arg3: memref<1x1024xf32, #tpu.memory_space<vmem>>, %arg4: memref<512x1xi32, #tpu.memory_space<vmem>>, %arg5: memref<512x1xi32, #tpu.memory_space<vmem>>, %arg6: memref<512x1024xf32, #tpu.memory_space<vmem>>, %arg7: memref<512x1xi32, #tpu.memory_space<vmem>>) attributes {dimension_semantics = [#tpu.dimension_semantics<arbitrary>], iteration_bounds = array<i64: 8>, scalar_prefetch = 0 : i64, scratch_operands = 0 : i64, tpu.core_type = #tpu.core_type<tc>, window_params = [{transform_indices = @transform_0, window_bounds = array<i64: 512, 1024>}, {pipeline_mode = #tpu.pipeline_mode<synchronous>, transform_indices = @transform_1, window_bounds = array<i64: 1024, 1024>}, {pipeline_mode = #tpu.pipeline_mode<synchronous>, transform_indices = @transform_2, window_bounds = array<i64: 1, 1024>}, {transform_indices = @transform_3, window_bounds = array<i64: 512, 1>}, {transform_indices = @transform_4, window_bounds = array<i64: 512, 1>}, {transform_indices = @transform_5, window_bounds = array<i64: 512, 1024>}, {transform_indices = @transform_6, window_bounds = array<i64: 512, 1>}]} {
    %get3A = arith.constant 0 : index
    %get3A_0 = arith.constant 0 : index
    %get3A_1 = vector.load %arg1[%get3A, %get3A_0] : memref<512x1024xf32, #tpu.memory_space<vmem>>, vector<512x1024xf32>
    %get3A_2 = arith.constant 0 : index
    %get3A_3 = arith.constant 0 : index
    %get3A_4 = vector.load %arg4[%get3A_2, %get3A_3] : memref<512x1xi32, #tpu.memory_space<vmem>>, vector<512x1xi32>
    %get3A_5 = arith.constant 0 : index
    %get3A_6 = arith.constant 0 : index
    %get3A_7 = vector.load %arg2[%get3A_5, %get3A_6] : memref<1024x1024xf32, #tpu.memory_space<vmem>>, vector<1024x1024xf32>
    %dot_general3A = arith.constant dense<0.000000e+00> : vector<512x1024xf32>
    %dot_general3A_8 = tpu.matmul %get3A_1, %get3A_7, %dot_general3A {dimension_numbers = #tpu.dot_dimension_numbers<[1], [0], [0], [1], [0, 0, 1, 1], [], []>, transpose_lhs_hint = false} : vector<512x1024xf32>, vector<1024x1024xf32>, vector<512x1024xf32> -> vector<512x1024xf32>
    %get3A_9 = arith.constant 0 : index
    %get3A_10 = arith.constant 0 : index
    %get3A_11 = vector.load %arg3[%get3A_9, %get3A_10] : memref<1x1024xf32, #tpu.memory_space<vmem>>, vector<1x1024xf32>
    %add3A = vector.broadcast %get3A_11 : vector<1x1024xf32> to vector<512x1024xf32>
    %add3A_12 = arith.addf %dot_general3A_8, %add3A : vector<512x1024xf32>
    %swap3A = arith.constant 0 : index
    %swap3A_13 = arith.constant 0 : index
    %swap3A_14 = vector.load %arg6[%swap3A, %swap3A_13] : memref<512x1024xf32, #tpu.memory_space<vmem>>, vector<512x1024xf32>
    tpu.vector_store %arg6[%swap3A, %swap3A_13], %add3A_12 {strides = array<i32>} : memref<512x1024xf32, #tpu.memory_space<vmem>>, vector<512x1024xf32>,
    %eq3A = arith.constant 3 : i32
    %eq3A_15 = vector.broadcast %eq3A : i32 to vector<512x1xi32>
    %eq3A_16 = arith.cmpi eq, %get3A_4, %eq3A_15 : vector<512x1xi32>
    %gt3A = arith.constant 3 : i32
    %gt3A_17 = vector.broadcast %gt3A : i32 to vector<512x1xi32>
    %gt3A_18 = arith.cmpi sgt, %get3A_4, %gt3A_17 : vector<512x1xi32>
    %jit3A = arith.constant 2 : i32
    %jit3A_19 = arith.constant 0 : i32
    %broadcast_in_dim3A = vector.broadcast %jit3A : i32 to vector<512x1xi32>
    %broadcast_in_dim3A_20 = vector.broadcast %jit3A_19 : i32 to vector<512x1xi32>
    %select_n3A = arith.select %gt3A_18, %broadcast_in_dim3A, %broadcast_in_dim3A_20 : vector<512x1xi1>, vector<512x1xi32>
    %jit3A_21 = arith.constant 1 : i32
    %broadcast_in_dim3A_22 = vector.broadcast %jit3A_21 : i32 to vector<512x1xi32>
    %select_n3A_23 = arith.select %eq3A_16, %broadcast_in_dim3A_22, %select_n3A : vector<512x1xi1>, vector<512x1xi32>
    %mul3A = arith.constant 16 : i32
    %mul3A_24 = vector.broadcast %mul3A : i32 to vector<512x1xi32>
    %mul3A_25 = arith.muli %select_n3A_23, %mul3A_24 : vector<512x1xi32>
    %get3A_26 = arith.constant 0 : index
    %get3A_27 = arith.constant 0 : index
    %get3A_28 = vector.load %arg5[%get3A_26, %get3A_27] : memref<512x1xi32, #tpu.memory_space<vmem>>, vector<512x1xi32>
    %add3A_29 = arith.addi %mul3A_25, %get3A_28 : vector<512x1xi32>
    %swap3A_30 = arith.constant 0 : index
    %swap3A_31 = arith.constant 0 : index
    %swap3A_32 = vector.load %arg7[%swap3A_30, %swap3A_31] : memref<512x1xi32, #tpu.memory_space<vmem>>, vector<512x1xi32>
    tpu.vector_store %arg7[%swap3A_30, %swap3A_31], %add3A_29 {strides = array<i32>} : memref<512x1xi32, #tpu.memory_space<vmem>>, vector<512x1xi32>,
    return
  }
  func.func @transform_0(%arg0: i32) -> (i32, i32) {
    %c0_i32 = arith.constant 0 : i32
    %c0_i32_0 = arith.constant 0 : i32
    return %arg0, %c0_i32 : i32, i32
  }
  func.func @transform_1(%arg0: i32) -> (i32, i32) {
    %c0_i32 = arith.constant 0 : i32
    %c0_i32_0 = arith.constant 0 : i32
    %c0_i32_1 = arith.constant 0 : i32
    return %c0_i32, %c0_i32_0 : i32, i32
  }
  func.func @transform_2(%arg0: i32) -> (i32, i32) {
    %c0_i32 = arith.constant 0 : i32
    %c0_i32_0 = arith.constant 0 : i32
    %c0_i32_1 = arith.constant 0 : i32
    return %c0_i32, %c0_i32_0 : i32, i32
  }
  func.func @transform_3(%arg0: i32) -> (i32, i32) {
    %c0_i32 = arith.constant 0 : i32
    %c0_i32_0 = arith.constant 0 : i32
    return %arg0, %c0_i32 : i32, i32
  }
  func.func @transform_4(%arg0: i32) -> (i32, i32) {
    %c0_i32 = arith.constant 0 : i32
    %c0_i32_0 = arith.constant 0 : i32
    return %arg0, %c0_i32 : i32, i32
  }
  func.func @transform_5(%arg0: i32) -> (i32, i32) {
    %c0_i32 = arith.constant 0 : i32
    %c0_i32_0 = arith.constant 0 : i32
    return %arg0, %c0_i32 : i32, i32
  }
  func.func @transform_6(%arg0: i32) -> (i32, i32) {
    %c0_i32 = arith.constant 0 : i32
    %c0_i32_0 = arith.constant 0 : i32
    return %arg0, %c0_i32 : i32, i32
  }
}

module attributes {stable_mosaic.version = 14 : i64} {
  func.func @_main_body(%arg0: i32, %arg1: memref<128x1024xf32, #tpu.memory_space<vmem>>, %arg2: memref<128x1024xf32, #tpu.memory_space<vmem>>, %arg3: memref<128x1024xf32, #tpu.memory_space<vmem>>, %arg4: memref<128x1024xf32, #tpu.memory_space<vmem>>, %arg5: memref<1024x8xf32, #tpu.memory_space<vmem>>, %arg6: memref<1x8xf32, #tpu.memory_space<vmem>>, %arg7: memref<1024x1xf32, #tpu.memory_space<vmem>>, %arg8: memref<1x1xf32, #tpu.memory_space<vmem>>, %arg9: memref<1024x1024xf32, #tpu.memory_space<vmem>>, %arg10: memref<1x1024xf32, #tpu.memory_space<vmem>>, %arg11: memref<1024x1024xf32, #tpu.memory_space<vmem>>, %arg12: memref<1x1024xf32, #tpu.memory_space<vmem>>, %arg13: memref<1024x1xf32, #tpu.memory_space<vmem>>, %arg14: memref<1x1xf32, #tpu.memory_space<vmem>>, %arg15: memref<1024x1024xf32, #tpu.memory_space<vmem>>, %arg16: memref<1x1024xf32, #tpu.memory_space<vmem>>, %arg17: memref<1024x1024xf32, #tpu.memory_space<vmem>>, %arg18: memref<1x1024xf32, #tpu.memory_space<vmem>>, %arg19: memref<1x1024xf32, #tpu.memory_space<vmem>>, %arg20: memref<1x1024xf32, #tpu.memory_space<vmem>>, %arg21: memref<128x1xi32, #tpu.memory_space<vmem>>, %arg22: memref<128x1xi32, #tpu.memory_space<vmem>>, %arg23: memref<128x1xi32, #tpu.memory_space<vmem>>, %arg24: memref<128x1024xf32, #tpu.memory_space<vmem>>, %arg25: memref<128x8xf32, #tpu.memory_space<vmem>>, %arg26: memref<128x1xf32, #tpu.memory_space<vmem>>, %arg27: memref<128x1024xf32, #tpu.memory_space<vmem>>, %arg28: memref<128x1024xf32, #tpu.memory_space<vmem>>, %arg29: memref<128x1024xf32, #tpu.memory_space<vmem>>) attributes {dimension_semantics = [#tpu.dimension_semantics<arbitrary>], iteration_bounds = array<i64: 32>, scalar_prefetch = 0 : i64, scratch_operands = 0 : i64, tpu.core_type = #tpu.core_type<tc>, window_params = [{transform_indices = @transform_0, window_bounds = array<i64: 128, 1024>}, {transform_indices = @transform_1, window_bounds = array<i64: 128, 1024>}, {transform_indices = @transform_2, window_bounds = array<i64: 128, 1024>}, {transform_indices = @transform_3, window_bounds = array<i64: 128, 1024>}, {pipeline_mode = #tpu.pipeline_mode<synchronous>, transform_indices = @transform_4, window_bounds = array<i64: 1024, 8>}, {pipeline_mode = #tpu.pipeline_mode<synchronous>, transform_indices = @transform_5, window_bounds = array<i64: 1, 8>}, {pipeline_mode = #tpu.pipeline_mode<synchronous>, transform_indices = @transform_6, window_bounds = array<i64: 1024, 1>}, {pipeline_mode = #tpu.pipeline_mode<synchronous>, transform_indices = @transform_7, window_bounds = array<i64: 1, 1>}, {pipeline_mode = #tpu.pipeline_mode<synchronous>, transform_indices = @transform_8, window_bounds = array<i64: 1024, 1024>}, {pipeline_mode = #tpu.pipeline_mode<synchronous>, transform_indices = @transform_9, window_bounds = array<i64: 1, 1024>}, {pipeline_mode = #tpu.pipeline_mode<synchronous>, transform_indices = @transform_10, window_bounds = array<i64: 1024, 1024>}, {pipeline_mode = #tpu.pipeline_mode<synchronous>, transform_indices = @transform_11, window_bounds = array<i64: 1, 1024>}, {pipeline_mode = #tpu.pipeline_mode<synchronous>, transform_indices = @transform_12, window_bounds = array<i64: 1024, 1>}, {pipeline_mode = #tpu.pipeline_mode<synchronous>, transform_indices = @transform_13, window_bounds = array<i64: 1, 1>}, {pipeline_mode = #tpu.pipeline_mode<synchronous>, transform_indices = @transform_14, window_bounds = array<i64: 1024, 1024>}, {pipeline_mode = #tpu.pipeline_mode<synchronous>, transform_indices = @transform_15, window_bounds = array<i64: 1, 1024>}, {pipeline_mode = #tpu.pipeline_mode<synchronous>, transform_indices = @transform_16, window_bounds = array<i64: 1024, 1024>}, {pipeline_mode = #tpu.pipeline_mode<synchronous>, transform_indices = @transform_17, window_bounds = array<i64: 1, 1024>}, {pipeline_mode = #tpu.pipeline_mode<synchronous>, transform_indices = @transform_18, window_bounds = array<i64: 1, 1024>}, {pipeline_mode = #tpu.pipeline_mode<synchronous>, transform_indices = @transform_19, window_bounds = array<i64: 1, 1024>}, {transform_indices = @transform_20, window_bounds = array<i64: 128, 1>}, {transform_indices = @transform_21, window_bounds = array<i64: 128, 1>}, {transform_indices = @transform_22, window_bounds = array<i64: 128, 1>}, {transform_indices = @transform_23, window_bounds = array<i64: 128, 1024>}, {transform_indices = @transform_24, window_bounds = array<i64: 128, 8>}, {transform_indices = @transform_25, window_bounds = array<i64: 128, 1>}, {transform_indices = @transform_26, window_bounds = array<i64: 128, 1024>}, {transform_indices = @transform_27, window_bounds = array<i64: 128, 1024>}, {transform_indices = @transform_28, window_bounds = array<i64: 128, 1024>}]} {
    %get3A = arith.constant 0 : index
    %get3A_0 = arith.constant 0 : index
    %get3A_1 = vector.load %arg1[%get3A, %get3A_0] : memref<128x1024xf32, #tpu.memory_space<vmem>>, vector<128x1024xf32>
    %get3A_2 = arith.constant 0 : index
    %get3A_3 = arith.constant 0 : index
    %get3A_4 = vector.load %arg21[%get3A_2, %get3A_3] : memref<128x1xi32, #tpu.memory_space<vmem>>, vector<128x1xi32>
    %get3A_5 = arith.constant 0 : index
    %get3A_6 = arith.constant 0 : index
    %get3A_7 = vector.load %arg22[%get3A_5, %get3A_6] : memref<128x1xi32, #tpu.memory_space<vmem>>, vector<128x1xi32>
    %ne3A = arith.constant 0 : i32
    %ne3A_8 = vector.broadcast %ne3A : i32 to vector<128x1xi32>
    %ne3A_9 = arith.cmpi ne, %get3A_7, %ne3A_8 : vector<128x1xi32>
    %get3A_10 = arith.constant 0 : index
    %get3A_11 = arith.constant 0 : index
    %get3A_12 = vector.load %arg23[%get3A_10, %get3A_11] : memref<128x1xi32, #tpu.memory_space<vmem>>, vector<128x1xi32>
    %ne3A_13 = arith.constant 0 : i32
    %ne3A_14 = vector.broadcast %ne3A_13 : i32 to vector<128x1xi32>
    %ne3A_15 = arith.cmpi ne, %get3A_12, %ne3A_14 : vector<128x1xi32>
    %eq3A = arith.constant 0 : i32
    %eq3A_16 = vector.broadcast %eq3A : i32 to vector<128x1xi32>
    %eq3A_17 = arith.cmpi eq, %get3A_4, %eq3A_16 : vector<128x1xi32>
    %eq3A_18 = arith.constant 1 : i32
    %eq3A_19 = vector.broadcast %eq3A_18 : i32 to vector<128x1xi32>
    %eq3A_20 = arith.cmpi eq, %get3A_4, %eq3A_19 : vector<128x1xi32>
    %eq3A_21 = arith.constant 2 : i32
    %eq3A_22 = vector.broadcast %eq3A_21 : i32 to vector<128x1xi32>
    %eq3A_23 = arith.cmpi eq, %get3A_4, %eq3A_22 : vector<128x1xi32>
    %get3A_24 = arith.constant 0 : index
    %get3A_25 = arith.constant 0 : index
    %get3A_26 = vector.load %arg5[%get3A_24, %get3A_25] : memref<1024x8xf32, #tpu.memory_space<vmem>>, vector<1024x8xf32>
    %dot_general3A = arith.constant dense<0.000000e+00> : vector<128x8xf32>
    %dot_general3A_27 = tpu.matmul %get3A_1, %get3A_26, %dot_general3A {dimension_numbers = #tpu.dot_dimension_numbers<[1], [0], [0], [1], [0, 0, 1, 1], [], []>, transpose_lhs_hint = false} : vector<128x1024xf32>, vector<1024x8xf32>, vector<128x8xf32> -> vector<128x8xf32>
    %get3A_28 = arith.constant 0 : index
    %get3A_29 = arith.constant 0 : index
    %get3A_30 = vector.load %arg6[%get3A_28, %get3A_29] : memref<1x8xf32, #tpu.memory_space<vmem>>, vector<1x8xf32>
    %add3A = vector.broadcast %get3A_30 : vector<1x8xf32> to vector<128x8xf32>
    %add3A_31 = arith.addf %dot_general3A_27, %add3A : vector<128x8xf32>
    %swap3A = arith.constant 0 : index
    %swap3A_32 = arith.constant 0 : index
    %swap3A_33 = vector.load %arg25[%swap3A, %swap3A_32] : memref<128x8xf32, #tpu.memory_space<vmem>>, vector<128x8xf32>
    tpu.vector_store %arg25[%swap3A, %swap3A_32], %add3A_31 {strides = array<i32>} : memref<128x8xf32, #tpu.memory_space<vmem>>, vector<128x8xf32>,
    %get3A_34 = arith.constant 0 : index
    %get3A_35 = arith.constant 0 : index
    %get3A_36 = vector.load %arg7[%get3A_34, %get3A_35] : memref<1024x1xf32, #tpu.memory_space<vmem>>, vector<1024x1xf32>
    %dot_general3A_37 = arith.constant dense<0.000000e+00> : vector<128x1xf32>
    %dot_general3A_38 = tpu.matmul %get3A_1, %get3A_36, %dot_general3A_37 {dimension_numbers = #tpu.dot_dimension_numbers<[1], [0], [0], [1], [0, 0, 1, 1], [], []>, transpose_lhs_hint = false} : vector<128x1024xf32>, vector<1024x1xf32>, vector<128x1xf32> -> vector<128x1xf32>
    %get3A_39 = arith.constant 0 : index
    %get3A_40 = arith.constant 0 : index
    %get3A_41 = vector.load %arg8[%get3A_39, %get3A_40] : memref<1x1xf32, #tpu.memory_space<vmem>>, vector<1x1xf32>
    %get3A_42 = vector.extract %get3A_41[0, 0] : f32 from vector<1x1xf32>
    %add3A_43 = vector.broadcast %get3A_42 : f32 to vector<128x1xf32>
    %add3A_44 = arith.addf %dot_general3A_38, %add3A_43 : vector<128x1xf32>
    %swap3A_45 = arith.constant 0 : index
    %swap3A_46 = arith.constant 0 : index
    %swap3A_47 = vector.load %arg26[%swap3A_45, %swap3A_46] : memref<128x1xf32, #tpu.memory_space<vmem>>, vector<128x1xf32>
    tpu.vector_store %arg26[%swap3A_45, %swap3A_46], %add3A_44 {strides = array<i32>} : memref<128x1xf32, #tpu.memory_space<vmem>>, vector<128x1xf32>,
    %get3A_48 = arith.constant 0 : index
    %get3A_49 = arith.constant 0 : index
    %get3A_50 = vector.load %arg9[%get3A_48, %get3A_49] : memref<1024x1024xf32, #tpu.memory_space<vmem>>, vector<1024x1024xf32>
    %dot_general3A_51 = arith.constant dense<0.000000e+00> : vector<128x1024xf32>
    %dot_general3A_52 = tpu.matmul %get3A_1, %get3A_50, %dot_general3A_51 {dimension_numbers = #tpu.dot_dimension_numbers<[1], [0], [0], [1], [0, 0, 1, 1], [], []>, transpose_lhs_hint = false} : vector<128x1024xf32>, vector<1024x1024xf32>, vector<128x1024xf32> -> vector<128x1024xf32>
    %get3A_53 = arith.constant 0 : index
    %get3A_54 = arith.constant 0 : index
    %get3A_55 = vector.load %arg10[%get3A_53, %get3A_54] : memref<1x1024xf32, #tpu.memory_space<vmem>>, vector<1x1024xf32>
    %add3A_56 = vector.broadcast %get3A_55 : vector<1x1024xf32> to vector<128x1024xf32>
    %add3A_57 = arith.addf %dot_general3A_52, %add3A_56 : vector<128x1024xf32>
    %not3A = arith.constant dense<true> : vector<128x1xi1>
    %not3A_58 = arith.xori %ne3A_9, %not3A : vector<128x1xi1>
    %and3A = arith.andi %eq3A_17, %not3A_58 : vector<128x1xi1>
    %get3A_59 = arith.constant 0 : index
    %get3A_60 = arith.constant 0 : index
    %get3A_61 = vector.load %arg2[%get3A_59, %get3A_60] : memref<128x1024xf32, #tpu.memory_space<vmem>>, vector<128x1024xf32>
    %broadcast_in_dim3A = vector.shape_cast %and3A : vector<128x1xi1> to vector<128x1xi1>
    %broadcast_in_dim3A_62 = vector.broadcast %broadcast_in_dim3A : vector<128x1xi1> to vector<128x1024xi1>
    %select_n3A = arith.select %broadcast_in_dim3A_62, %add3A_57, %get3A_61 : vector<128x1024xi1>, vector<128x1024xf32>
    %swap3A_63 = arith.constant 0 : index
    %swap3A_64 = arith.constant 0 : index
    %swap3A_65 = vector.load %arg27[%swap3A_63, %swap3A_64] : memref<128x1024xf32, #tpu.memory_space<vmem>>, vector<128x1024xf32>
    tpu.vector_store %arg27[%swap3A_63, %swap3A_64], %select_n3A {strides = array<i32>} : memref<128x1024xf32, #tpu.memory_space<vmem>>, vector<128x1024xf32>,
    %get3A_66 = arith.constant 0 : index
    %get3A_67 = arith.constant 0 : index
    %get3A_68 = vector.load %arg11[%get3A_66, %get3A_67] : memref<1024x1024xf32, #tpu.memory_space<vmem>>, vector<1024x1024xf32>
    %dot_general3A_69 = arith.constant dense<0.000000e+00> : vector<128x1024xf32>
    %dot_general3A_70 = tpu.matmul %get3A_1, %get3A_68, %dot_general3A_69 {dimension_numbers = #tpu.dot_dimension_numbers<[1], [0], [0], [1], [0, 0, 1, 1], [], []>, transpose_lhs_hint = false} : vector<128x1024xf32>, vector<1024x1024xf32>, vector<128x1024xf32> -> vector<128x1024xf32>
    %get3A_71 = arith.constant 0 : index
    %get3A_72 = arith.constant 0 : index
    %get3A_73 = vector.load %arg12[%get3A_71, %get3A_72] : memref<1x1024xf32, #tpu.memory_space<vmem>>, vector<1x1024xf32>
    %add3A_74 = vector.broadcast %get3A_73 : vector<1x1024xf32> to vector<128x1024xf32>
    %add3A_75 = arith.addf %dot_general3A_70, %add3A_74 : vector<128x1024xf32>
    %not3A_76 = arith.constant dense<true> : vector<128x1xi1>
    %not3A_77 = arith.xori %ne3A_15, %not3A_76 : vector<128x1xi1>
    %and3A_78 = arith.andi %eq3A_20, %not3A_77 : vector<128x1xi1>
    %get3A_79 = arith.constant 0 : index
    %get3A_80 = arith.constant 0 : index
    %get3A_81 = vector.load %arg3[%get3A_79, %get3A_80] : memref<128x1024xf32, #tpu.memory_space<vmem>>, vector<128x1024xf32>
    %broadcast_in_dim3A_82 = vector.shape_cast %and3A_78 : vector<128x1xi1> to vector<128x1xi1>
    %broadcast_in_dim3A_83 = vector.broadcast %broadcast_in_dim3A_82 : vector<128x1xi1> to vector<128x1024xi1>
    %select_n3A_84 = arith.select %broadcast_in_dim3A_83, %add3A_75, %get3A_81 : vector<128x1024xi1>, vector<128x1024xf32>
    %swap3A_85 = arith.constant 0 : index
    %swap3A_86 = arith.constant 0 : index
    %swap3A_87 = vector.load %arg28[%swap3A_85, %swap3A_86] : memref<128x1024xf32, #tpu.memory_space<vmem>>, vector<128x1024xf32>
    tpu.vector_store %arg28[%swap3A_85, %swap3A_86], %select_n3A_84 {strides = array<i32>} : memref<128x1024xf32, #tpu.memory_space<vmem>>, vector<128x1024xf32>,
    %get3A_88 = arith.constant 0 : index
    %get3A_89 = arith.constant 0 : index
    %get3A_90 = vector.load %arg13[%get3A_88, %get3A_89] : memref<1024x1xf32, #tpu.memory_space<vmem>>, vector<1024x1xf32>
    %dot_general3A_91 = arith.constant dense<0.000000e+00> : vector<128x1xf32>
    %dot_general3A_92 = tpu.matmul %get3A_1, %get3A_90, %dot_general3A_91 {dimension_numbers = #tpu.dot_dimension_numbers<[1], [0], [0], [1], [0, 0, 1, 1], [], []>, transpose_lhs_hint = false} : vector<128x1024xf32>, vector<1024x1xf32>, vector<128x1xf32> -> vector<128x1xf32>
    %get3A_93 = arith.constant 0 : index
    %get3A_94 = arith.constant 0 : index
    %get3A_95 = vector.load %arg14[%get3A_93, %get3A_94] : memref<1x1xf32, #tpu.memory_space<vmem>>, vector<1x1xf32>
    %get3A_96 = vector.extract %get3A_95[0, 0] : f32 from vector<1x1xf32>
    %add3A_97 = vector.broadcast %get3A_96 : f32 to vector<128x1xf32>
    %add3A_98 = arith.addf %dot_general3A_92, %add3A_97 : vector<128x1xf32>
    %logistic3A = arith.negf %add3A_98 : vector<128x1xf32>
    %logistic3A_99 = math.exp %logistic3A : vector<128x1xf32>
    %logistic3A_100 = arith.constant 1.000000e+00 : f32
    %logistic3A_101 = vector.broadcast %logistic3A_100 : f32 to vector<128x1xf32>
    %logistic3A_102 = arith.addf %logistic3A_101, %logistic3A_99 : vector<128x1xf32>
    %logistic3A_103 = arith.divf %logistic3A_101, %logistic3A_102 : vector<128x1xf32>
    %get3A_104 = arith.constant 0 : index
    %get3A_105 = arith.constant 0 : index
    %get3A_106 = vector.load %arg15[%get3A_104, %get3A_105] : memref<1024x1024xf32, #tpu.memory_space<vmem>>, vector<1024x1024xf32>
    %dot_general3A_107 = arith.constant dense<0.000000e+00> : vector<128x1024xf32>
    %dot_general3A_108 = tpu.matmul %get3A_1, %get3A_106, %dot_general3A_107 {dimension_numbers = #tpu.dot_dimension_numbers<[1], [0], [0], [1], [0, 0, 1, 1], [], []>, transpose_lhs_hint = false} : vector<128x1024xf32>, vector<1024x1024xf32>, vector<128x1024xf32> -> vector<128x1024xf32>
    %get3A_109 = arith.constant 0 : index
    %get3A_110 = arith.constant 0 : index
    %get3A_111 = vector.load %arg16[%get3A_109, %get3A_110] : memref<1x1024xf32, #tpu.memory_space<vmem>>, vector<1x1024xf32>
    %add3A_112 = vector.broadcast %get3A_111 : vector<1x1024xf32> to vector<128x1024xf32>
    %add3A_113 = arith.addf %dot_general3A_108, %add3A_112 : vector<128x1024xf32>
    %get3A_114 = arith.constant 0 : index
    %get3A_115 = arith.constant 0 : index
    %get3A_116 = vector.load %arg4[%get3A_114, %get3A_115] : memref<128x1024xf32, #tpu.memory_space<vmem>>, vector<128x1024xf32>
    %mul3A = vector.broadcast %logistic3A_103 : vector<128x1xf32> to vector<128x1024xf32>
    %mul3A_117 = arith.mulf %mul3A, %add3A_113 : vector<128x1024xf32>
    %sub3A = arith.constant 1.000000e+00 : f32
    %sub3A_118 = vector.broadcast %sub3A : f32 to vector<128x1xf32>
    %sub3A_119 = arith.subf %sub3A_118, %logistic3A_103 : vector<128x1xf32>
    %mul3A_120 = vector.broadcast %sub3A_119 : vector<128x1xf32> to vector<128x1024xf32>
    %mul3A_121 = arith.mulf %mul3A_120, %get3A_116 : vector<128x1024xf32>
    %add3A_122 = arith.addf %mul3A_117, %mul3A_121 : vector<128x1024xf32>
    %broadcast_in_dim3A_123 = vector.shape_cast %eq3A_23 : vector<128x1xi1> to vector<128x1xi1>
    %broadcast_in_dim3A_124 = vector.broadcast %broadcast_in_dim3A_123 : vector<128x1xi1> to vector<128x1024xi1>
    %select_n3A_125 = arith.select %broadcast_in_dim3A_124, %add3A_122, %get3A_116 : vector<128x1024xi1>, vector<128x1024xf32>
    %swap3A_126 = arith.constant 0 : index
    %swap3A_127 = arith.constant 0 : index
    %swap3A_128 = vector.load %arg29[%swap3A_126, %swap3A_127] : memref<128x1024xf32, #tpu.memory_space<vmem>>, vector<128x1024xf32>
    tpu.vector_store %arg29[%swap3A_126, %swap3A_127], %select_n3A_125 {strides = array<i32>} : memref<128x1024xf32, #tpu.memory_space<vmem>>, vector<128x1024xf32>,
    %get3A_129 = arith.constant 0 : index
    %get3A_130 = arith.constant 0 : index
    %get3A_131 = vector.load %arg17[%get3A_129, %get3A_130] : memref<1024x1024xf32, #tpu.memory_space<vmem>>, vector<1024x1024xf32>
    %dot_general3A_132 = arith.constant dense<0.000000e+00> : vector<128x1024xf32>
    %dot_general3A_133 = tpu.matmul %get3A_1, %get3A_131, %dot_general3A_132 {dimension_numbers = #tpu.dot_dimension_numbers<[1], [0], [0], [1], [0, 0, 1, 1], [], []>, transpose_lhs_hint = false} : vector<128x1024xf32>, vector<1024x1024xf32>, vector<128x1024xf32> -> vector<128x1024xf32>
    %get3A_134 = arith.constant 0 : index
    %get3A_135 = arith.constant 0 : index
    %get3A_136 = vector.load %arg18[%get3A_134, %get3A_135] : memref<1x1024xf32, #tpu.memory_space<vmem>>, vector<1x1024xf32>
    %add3A_137 = vector.broadcast %get3A_136 : vector<1x1024xf32> to vector<128x1024xf32>
    %add3A_138 = arith.addf %dot_general3A_133, %add3A_137 : vector<128x1024xf32>
    %logistic3A_139 = arith.negf %add3A_138 : vector<128x1024xf32>
    %logistic3A_140 = math.exp %logistic3A_139 : vector<128x1024xf32>
    %logistic3A_141 = arith.constant 1.000000e+00 : f32
    %logistic3A_142 = vector.broadcast %logistic3A_141 : f32 to vector<128x1024xf32>
    %logistic3A_143 = arith.addf %logistic3A_142, %logistic3A_140 : vector<128x1024xf32>
    %logistic3A_144 = arith.divf %logistic3A_142, %logistic3A_143 : vector<128x1024xf32>
    %mul3A_145 = arith.mulf %logistic3A_144, %get3A_1 : vector<128x1024xf32>
    %add3A_146 = arith.addf %get3A_1, %mul3A_145 : vector<128x1024xf32>
    %reduce_sum3A = arith.constant dense<0.000000e+00> : vector<128xf32>
    %reduce_sum3A_147 = vector.multi_reduction <add>, %add3A_146, %reduce_sum3A [1] : vector<128x1024xf32> to vector<128xf32>
    %broadcast_in_dim3A_148 = vector.shape_cast %reduce_sum3A_147 : vector<128xf32> to vector<128x1xf32>
    %div3A = arith.constant 1.024000e+03 : f32
    %div3A_149 = vector.broadcast %div3A : f32 to vector<128x1xf32>
    %div3A_150 = arith.divf %broadcast_in_dim3A_148, %div3A_149 : vector<128x1xf32>
    %sub3A_151 = vector.broadcast %div3A_150 : vector<128x1xf32> to vector<128x1024xf32>
    %sub3A_152 = arith.subf %add3A_146, %sub3A_151 : vector<128x1024xf32>
    %integer_pow3A = arith.mulf %sub3A_152, %sub3A_152 : vector<128x1024xf32>
    %reduce_sum3A_153 = arith.constant dense<0.000000e+00> : vector<128xf32>
    %reduce_sum3A_154 = vector.multi_reduction <add>, %integer_pow3A, %reduce_sum3A_153 [1] : vector<128x1024xf32> to vector<128xf32>
    %broadcast_in_dim3A_155 = vector.shape_cast %reduce_sum3A_154 : vector<128xf32> to vector<128x1xf32>
    %div3A_156 = arith.constant 1.024000e+03 : f32
    %div3A_157 = vector.broadcast %div3A_156 : f32 to vector<128x1xf32>
    %div3A_158 = arith.divf %broadcast_in_dim3A_155, %div3A_157 : vector<128x1xf32>
    %sub3A_159 = vector.broadcast %div3A_150 : vector<128x1xf32> to vector<128x1024xf32>
    %sub3A_160 = arith.subf %add3A_146, %sub3A_159 : vector<128x1024xf32>
    %add3A_161 = arith.constant 9.99999974E-6 : f32
    %add3A_162 = vector.broadcast %add3A_161 : f32 to vector<128x1xf32>
    %add3A_163 = arith.addf %div3A_158, %add3A_162 : vector<128x1xf32>
    %rsqrt3A = math.rsqrt %add3A_163 : vector<128x1xf32>
    %mul3A_164 = vector.broadcast %rsqrt3A : vector<128x1xf32> to vector<128x1024xf32>
    %mul3A_165 = arith.mulf %sub3A_160, %mul3A_164 : vector<128x1024xf32>
    %get3A_166 = arith.constant 0 : index
    %get3A_167 = arith.constant 0 : index
    %get3A_168 = vector.load %arg19[%get3A_166, %get3A_167] : memref<1x1024xf32, #tpu.memory_space<vmem>>, vector<1x1024xf32>
    %mul3A_169 = vector.broadcast %get3A_168 : vector<1x1024xf32> to vector<128x1024xf32>
    %mul3A_170 = arith.mulf %mul3A_165, %mul3A_169 : vector<128x1024xf32>
    %get3A_171 = arith.constant 0 : index
    %get3A_172 = arith.constant 0 : index
    %get3A_173 = vector.load %arg20[%get3A_171, %get3A_172] : memref<1x1024xf32, #tpu.memory_space<vmem>>, vector<1x1024xf32>
    %add3A_174 = vector.broadcast %get3A_173 : vector<1x1024xf32> to vector<128x1024xf32>
    %add3A_175 = arith.addf %mul3A_170, %add3A_174 : vector<128x1024xf32>
    %swap3A_176 = arith.constant 0 : index
    %swap3A_177 = arith.constant 0 : index
    %swap3A_178 = vector.load %arg24[%swap3A_176, %swap3A_177] : memref<128x1024xf32, #tpu.memory_space<vmem>>, vector<128x1024xf32>
    tpu.vector_store %arg24[%swap3A_176, %swap3A_177], %add3A_175 {strides = array<i32>} : memref<128x1024xf32, #tpu.memory_space<vmem>>, vector<128x1024xf32>,
    return
  }
  func.func @transform_0(%arg0: i32) -> (i32, i32) {
    %c0_i32 = arith.constant 0 : i32
    %c0_i32_0 = arith.constant 0 : i32
    return %arg0, %c0_i32 : i32, i32
  }
  func.func @transform_1(%arg0: i32) -> (i32, i32) {
    %c0_i32 = arith.constant 0 : i32
    %c0_i32_0 = arith.constant 0 : i32
    return %arg0, %c0_i32 : i32, i32
  }
  func.func @transform_2(%arg0: i32) -> (i32, i32) {
    %c0_i32 = arith.constant 0 : i32
    %c0_i32_0 = arith.constant 0 : i32
    return %arg0, %c0_i32 : i32, i32
  }
  func.func @transform_3(%arg0: i32) -> (i32, i32) {
    %c0_i32 = arith.constant 0 : i32
    %c0_i32_0 = arith.constant 0 : i32
    return %arg0, %c0_i32 : i32, i32
  }
  func.func @transform_4(%arg0: i32) -> (i32, i32) {
    %c0_i32 = arith.constant 0 : i32
    %c0_i32_0 = arith.constant 0 : i32
    %c0_i32_1 = arith.constant 0 : i32
    return %c0_i32, %c0_i32_0 : i32, i32
  }
  func.func @transform_5(%arg0: i32) -> (i32, i32) {
    %c0_i32 = arith.constant 0 : i32
    %c0_i32_0 = arith.constant 0 : i32
    %c0_i32_1 = arith.constant 0 : i32
    return %c0_i32, %c0_i32_0 : i32, i32
  }
  func.func @transform_6(%arg0: i32) -> (i32, i32) {
    %c0_i32 = arith.constant 0 : i32
    %c0_i32_0 = arith.constant 0 : i32
    %c0_i32_1 = arith.constant 0 : i32
    return %c0_i32, %c0_i32_0 : i32, i32
  }
  func.func @transform_7(%arg0: i32) -> (i32, i32) {
    %c0_i32 = arith.constant 0 : i32
    %c0_i32_0 = arith.constant 0 : i32
    %c0_i32_1 = arith.constant 0 : i32
    return %c0_i32, %c0_i32_0 : i32, i32
  }
  func.func @transform_8(%arg0: i32) -> (i32, i32) {
    %c0_i32 = arith.constant 0 : i32
    %c0_i32_0 = arith.constant 0 : i32
    %c0_i32_1 = arith.constant 0 : i32
    return %c0_i32, %c0_i32_0 : i32, i32
  }
  func.func @transform_9(%arg0: i32) -> (i32, i32) {
    %c0_i32 = arith.constant 0 : i32
    %c0_i32_0 = arith.constant 0 : i32
    %c0_i32_1 = arith.constant 0 : i32
    return %c0_i32, %c0_i32_0 : i32, i32
  }
  func.func @transform_10(%arg0: i32) -> (i32, i32) {
    %c0_i32 = arith.constant 0 : i32
    %c0_i32_0 = arith.constant 0 : i32
    %c0_i32_1 = arith.constant 0 : i32
    return %c0_i32, %c0_i32_0 : i32, i32
  }
  func.func @transform_11(%arg0: i32) -> (i32, i32) {
    %c0_i32 = arith.constant 0 : i32
    %c0_i32_0 = arith.constant 0 : i32
    %c0_i32_1 = arith.constant 0 : i32
    return %c0_i32, %c0_i32_0 : i32, i32
  }
  func.func @transform_12(%arg0: i32) -> (i32, i32) {
    %c0_i32 = arith.constant 0 : i32
    %c0_i32_0 = arith.constant 0 : i32
    %c0_i32_1 = arith.constant 0 : i32
    return %c0_i32, %c0_i32_0 : i32, i32
  }
  func.func @transform_13(%arg0: i32) -> (i32, i32) {
    %c0_i32 = arith.constant 0 : i32
    %c0_i32_0 = arith.constant 0 : i32
    %c0_i32_1 = arith.constant 0 : i32
    return %c0_i32, %c0_i32_0 : i32, i32
  }
  func.func @transform_14(%arg0: i32) -> (i32, i32) {
    %c0_i32 = arith.constant 0 : i32
    %c0_i32_0 = arith.constant 0 : i32
    %c0_i32_1 = arith.constant 0 : i32
    return %c0_i32, %c0_i32_0 : i32, i32
  }
  func.func @transform_15(%arg0: i32) -> (i32, i32) {
    %c0_i32 = arith.constant 0 : i32
    %c0_i32_0 = arith.constant 0 : i32
    %c0_i32_1 = arith.constant 0 : i32
    return %c0_i32, %c0_i32_0 : i32, i32
  }
  func.func @transform_16(%arg0: i32) -> (i32, i32) {
    %c0_i32 = arith.constant 0 : i32
    %c0_i32_0 = arith.constant 0 : i32
    %c0_i32_1 = arith.constant 0 : i32
    return %c0_i32, %c0_i32_0 : i32, i32
  }
  func.func @transform_17(%arg0: i32) -> (i32, i32) {
    %c0_i32 = arith.constant 0 : i32
    %c0_i32_0 = arith.constant 0 : i32
    %c0_i32_1 = arith.constant 0 : i32
    return %c0_i32, %c0_i32_0 : i32, i32
  }
  func.func @transform_18(%arg0: i32) -> (i32, i32) {
    %c0_i32 = arith.constant 0 : i32
    %c0_i32_0 = arith.constant 0 : i32
    %c0_i32_1 = arith.constant 0 : i32
    return %c0_i32, %c0_i32_0 : i32, i32
  }
  func.func @transform_19(%arg0: i32) -> (i32, i32) {
    %c0_i32 = arith.constant 0 : i32
    %c0_i32_0 = arith.constant 0 : i32
    %c0_i32_1 = arith.constant 0 : i32
    return %c0_i32, %c0_i32_0 : i32, i32
  }
  func.func @transform_20(%arg0: i32) -> (i32, i32) {
    %c0_i32 = arith.constant 0 : i32
    %c0_i32_0 = arith.constant 0 : i32
    return %arg0, %c0_i32 : i32, i32
  }
  func.func @transform_21(%arg0: i32) -> (i32, i32) {
    %c0_i32 = arith.constant 0 : i32
    %c0_i32_0 = arith.constant 0 : i32
    return %arg0, %c0_i32 : i32, i32
  }
  func.func @transform_22(%arg0: i32) -> (i32, i32) {
    %c0_i32 = arith.constant 0 : i32
    %c0_i32_0 = arith.constant 0 : i32
    return %arg0, %c0_i32 : i32, i32
  }
  func.func @transform_23(%arg0: i32) -> (i32, i32) {
    %c0_i32 = arith.constant 0 : i32
    %c0_i32_0 = arith.constant 0 : i32
    return %arg0, %c0_i32 : i32, i32
  }
  func.func @transform_24(%arg0: i32) -> (i32, i32) {
    %c0_i32 = arith.constant 0 : i32
    %c0_i32_0 = arith.constant 0 : i32
    return %arg0, %c0_i32 : i32, i32
  }
  func.func @transform_25(%arg0: i32) -> (i32, i32) {
    %c0_i32 = arith.constant 0 : i32
    %c0_i32_0 = arith.constant 0 : i32
    return %arg0, %c0_i32 : i32, i32
  }
  func.func @transform_26(%arg0: i32) -> (i32, i32) {
    %c0_i32 = arith.constant 0 : i32
    %c0_i32_0 = arith.constant 0 : i32
    return %arg0, %c0_i32 : i32, i32
  }
  func.func @transform_27(%arg0: i32) -> (i32, i32) {
    %c0_i32 = arith.constant 0 : i32
    %c0_i32_0 = arith.constant 0 : i32
    return %arg0, %c0_i32 : i32, i32
  }
  func.func @transform_28(%arg0: i32) -> (i32, i32) {
    %c0_i32 = arith.constant 0 : i32
    %c0_i32_0 = arith.constant 0 : i32
    return %arg0, %c0_i32 : i32, i32
  }
}

</mosaic_0001>

<sc_bundles>
// kernel: kernel.5.cloned.1.call-start
scs
__scs_entry_jumppad:
0x0: {  	(pc) =	sbr.rel $0x88, $3  }
0x1: {  	(tag) =	ssettag $0x0;
	lr =	simm.s32 $0x1  }
0x2: {  	[smem:$0x3F86] =	sst lr;
	_ =	strace $0xD0000000  }
0x3: {  	_ = 	snop  }
0x4: {  	_ = 	snop  }
0x5: {  	_ = 	snop  }
0x6: {  	_ = 	snop  }
0x7: {  	_ = 	snop  }
__scs_overlays_trampoline_lowered:
0x8: {  	[smem:$0x3F95] =	sst s0  }
0x9: {  	[smem:$0x3F96] =	sst s1  }
0xa: {  	[smem:$0x3F97] =	sst s2  }
0xb: {  	[smem:$0x3F98] =	sst s3  }
0xc: {  	[smem:$0x3F99] =	sst s4  }
0xd: {  	[smem:$0x3F9A] =	sst s5  }
0xe: {  	[smem:$0x3F9B] =	sst s6  }
0xf: {  	[smem:$0x3F9C] =	sst s7  }
0x10: {  	[smem:$0x3F9D] =	sst s8  }
0x11: {  	[smem:$0x3F9E] =	sst s9;
	s0 =	simm.s32 @!p0 $0x0  }
0x12: {  	s1 =	sld [smem:$0x3F84];
	s0 =	simm.s32 @p0 $0x1  }
0x13: {  	[smem:$0x3F9F] =	sst s0;
	s0 =	simm.s32 @!p1 $0x0  }
0x14: {  	s2 =	sld [smem:$0x3F83];
	s0 =	simm.s32 @p1 $0x1  }
0x15: {  	[smem:$0x3FA0] =	sst s0;
	s0 =	simm.s32 @!p2 $0x0  }
0x16: {  	s3 =	sld [smem:$0x3FDB];
	s0 =	simm.s32 @p2 $0x1  }
0x17: {  	s4 =	simm.s32 $0x1BF5;
	[smem:$0x3FA2] =	sst s0  }
0x18: {  	s0 =	sld [smem:$0x3F85];
	_ =	swait.ge [sflag:s4], $0x0  }
0x19: {  	s7 =	sld [smem:$0x3F86]  }
0x1a: {  	s8 =	sadd.s32 $0xFFFFE003, lr  }
0x1b: {  	s9 =	sadd.s32 $0xFFFFFEF7, lr;
	s5 =	simm.s32 $0xFFFFFFFF;
	p2 =	slt.u32 s8, $0xFFFFF086  }
0x1c: {  	p1 =	slt.u32 s9, $0xF7A;
	s5 =	simm.s32 @!p2 $0x0  }
0x1d: {  	s5 =	simm.s32 @p1 $0x1;
	p0 =	seq.s32 s7, s2  }
0x1e: {  	s7 =	smul.u32 @!p0 $0xF7A, s2;
	p2 =	seq.s32 @!p0 s5, $0x0  }
0x1f: {  	s9 =	smul.u32 $0xF7A, s1;
	s8 =	simm.s32 @!p0 $0x1BF5;
	p2 =	por !p2, p0  }
0x20: {  	[sflag:s8] =	ssyncset.s32 @!p0 $0xFFFFF086;
	s6 =	sadd.s32 @!p0 s3, s7;
	s7 =	simm.s32 @!p0 $0x108  }
0x21: {  	s3 =	sadd.s32 s3, s9;
	s6 =	sadd.s32 @!p0 $0x88, s6;
	s7 =	simm.s32 @p2 $0x1082  }
0x22: {  	[simem:s7], [sflag:s8] =	dma.local @!p0 [hbm:s6], $0xF7A  }
0x23: {  	s9 =	sor.u32 $0xD0000000, s2;
	s6 =	simm.s32 $0x108;
	_ =	swait.ge @!p0 [sflag:s8], $0x0  }
0x24: {  	s3 =	sadd.s32 $0x88, s3;
	s6 =	simm.s32 @!p1 $0x1082;
	[sflag:s4] =	ssyncset.s32 $0xFFFFF086  }
0x25: {  	[simem:s6], [sflag:s4] =	dma.local [hbm:s3], $0xF7A  }
0x26: {  	[smem:$0x3F86] =	sst s1;
	(tag) =	ssettag s2;
	_ =	strace s9  }
0x27: {  	s1 =	sld [smem:$0x3F96]  }
0x28: {  	s2 =	sld [smem:$0x3F97]  }
0x29: {  	s4 =	sld [smem:$0x3F99]  }
0x2a: {  	p0 =	seq.s32 s5, $0x0;
	s5 =	sld [smem:$0x3F9A]  }
0x2b: {  	s6 =	sld [smem:$0x3F9B]  }
0x2c: {  	s7 =	sld [smem:$0x3F9C]  }
0x2d: {  	s3 =	simm.s32 $0x108;
	s8 =	sld [smem:$0x3F9D]  }
0x2e: {  	s3 =	simm.s32 @!p0 $0x1082;
	s9 =	sld [smem:$0x3F9E]  }
0x2f: {  	lr =	sadd.s32 s0, s3;
	s0 =	sld [smem:$0x3F95]  }
0x30: {  	s3 =	sld [smem:$0x3F98]  }
0x31: {  	[smem:$0x3FA1] =	sst s10  }
0x32: {  	s10 =	sld [smem:$0x3F9F];
	_ =	sdelay $0x3  }
0x33: {  	p0 =	seq.s32 s10, $0x1;
	s10 =	sld [smem:$0x3FA1];
	_ =	sdelay $0x3  }
0x34: {  	[smem:$0x3FA1] =	sst s10  }
0x35: {  	s10 =	sld [smem:$0x3FA0];
	_ =	sdelay $0x3  }
0x36: {  	p1 =	seq.s32 s10, $0x1;
	s10 =	sld [smem:$0x3FA1];
	_ =	sdelay $0x3  }
0x37: {  	[smem:$0x3FA1] =	sst s10  }
0x38: {  	s10 =	sld [smem:$0x3FA2]  }
0x39: {  	_ = 	snop;
	(pc) =	sbr.ind lr, $3  }
0x3a: {  	_ = 	snop  }
0x3b: {  	_ = 	snop  }
0x3c: {  	p2 =	seq.s32 s10, $0x1;
	s10 =	sld [smem:$0x3FA1]  }
0x3d: {  	_ =	shalt  }
0x3e: {  	_ =	shalt  }
0x3f: {  	_ =	shalt  }
0x40: {  	_ =	shalt  }
0x41: {  	_ =	shalt  }
0x42: {  	_ =	shalt  }
0x43: {  	_ =	shalt  }
0x44: {  	_ =	shalt  }
0x45: {  	_ =	shalt  }
0x46: {  	_ =	shalt  }
0x47: {  	_ =	shalt  }
0x48: {  	_ =	shalt  }
0x49: {  	_ =	shalt  }
0x4a: {  	_ =	shalt  }
0x4b: {  	_ =	shalt  }
0x4c: {  	_ =	shalt  }
0x4d: {  	_ =	shalt  }
0x4e: {  	_ =	shalt  }
0x4f: {  	_ =	shalt  }
0x50: {  	_ =	shalt  }
0x51: {  	_ =	shalt  }
0x52: {  	_ =	shalt  }
0x53: {  	_ =	shalt  }
0x54: {  	_ =	shalt  }
0x55: {  	_ =	shalt  }
0x56: {  	_ =	shalt  }
0x57: {  	_ =	shalt  }
0x58: {  	_ =	shalt  }
0x59: {  	_ =	shalt  }
0x5a: {  	_ =	shalt  }
0x5b: {  	_ =	shalt  }
0x5c: {  	_ =	shalt  }
0x5d: {  	_ =	shalt  }
0x5e: {  	_ =	shalt  }
0x5f: {  	_ =	shalt  }
0x60: {  	_ =	shalt  }
0x61: {  	_ =	shalt  }
0x62: {  	_ =	shalt  }
0x63: {  	_ =	shalt  }
0x64: {  	_ =	shalt  }
0x65: {  	_ =	shalt  }
0x66: {  	_ =	shalt  }
0x67: {  	_ =	shalt  }
0x68: {  	_ =	shalt  }
0x69: {  	_ =	shalt  }
0x6a: {  	_ =	shalt  }
0x6b: {  	_ =	shalt  }
0x6c: {  	_ =	shalt  }
0x6d: {  	_ =	shalt  }
0x6e: {  	_ =	shalt  }
0x6f: {  	_ =	shalt  }
0x70: {  	_ =	shalt  }
0x71: {  	_ =	shalt  }
0x72: {  	_ =	shalt  }
0x73: {  	_ =	shalt  }
0x74: {  	_ =	shalt  }
0x75: {  	_ =	shalt  }
0x76: {  	_ =	shalt  }
0x77: {  	_ =	shalt  }
0x78: {  	_ =	shalt  }
0x79: {  	_ =	shalt  }
0x7a: {  	_ =	shalt  }
0x7b: {  	_ =	shalt  }
0x7c: {  	_ =	shalt  }
0x7d: {  	_ =	shalt  }
0x7e: {  	_ =	shalt  }
0x7f: {  	_ =	shalt  }
0x80: {  	_ =	shalt  }
0x81: {  	_ =	shalt  }
0x82: {  	_ =	shalt  }
0x83: {  	_ =	shalt  }
0x84: {  	_ =	shalt  }
0x85: {  	_ =	shalt  }
0x86: {  	_ =	shalt  }
0x87: {  	_ =	shalt  }
.Lfunc_end0:
.L_simem_size_0:
called_computation_lowered:
.L_overlay_start_0:
0x88: {  	s2 =	sld [smem:$0x3FD9]  }
0x89: {  	s3 =	sld [smem:$0x3FFE];
	_ =	sdelay $0x1  }
0x8a: {  	s1 =	srdreg.scid  }
0x8b: {  	s0 =	sand.u32 $0x1, s1  }
0x8c: {  	s14 =	sshll.u32 s0, $0xA;
	s2 =	sadd.s32 s3, s2  }
0x8d: {  	s2 =	sadd.s32 s2, s14  }
0x8e: {  	[smem:$0x3FAD] =	sst s2  }
0x8f: {  	_ = 	snop  }
0x90: {  	s2 =	sld [smem:$0x3FD0];
	_ =	sdelay $0x1  }
0x91: {  	s15 =	sld [smem:$0x3FC9]  }
0x92: {  	s5 =	simm.s32 $0xA;
	s6 =	simm.s32 $0x10;
	s4 =	sld [smem:$0x3FC5]  }
0x93: {  	[smem:s6], [sflag:s5] =	dma.local [hbm:s2], $0x1  }
0x94: {  	_ =	swait.eq [sflag:s5], $0x1  }
0x95: {  	[sflag:s5] =	ssyncset.done $0x0  }
0x96: {  	[sflag:s5] =	ssyncadd.s32 $0xFFFFFFFF  }
0x97: {  	s16 =	sld [smem:$0x16];
	(tm) =	ssettm $0x1  }
0x98: {  	s17 =	sld [smem:$0x3FFB];
	_ =	sdelay $0x3  }
0x99: {  	_ =	strace s17  }
0x9a: {  	s5 =	sld [smem:$0x3FFC];
	_ =	sdelay $0x3  }
0x9b: {  	_ =	strace s5  }
0x9c: {  	s5 =	sld [smem:$0x3FFD];
	_ =	sdelay $0x3  }
0x9d: {  	_ =	strace s5  }
0x9e: {  	_ =	strace $0x8FFFFFFF  }
0x9f: {  	s18 =	sld [smem:$0x3FDB];
	_ =	sdelay $0x1  }
0xa0: {  	s19 =	simm.s32 $_scs_section_size  }
0xa1: {  	s7 =	simm.s32 $_size__tile_overlayer_lowered;
	s8 =	simm.s32 $_tile_overlayer_lowered  }
0xa2: {  	s22 =	simm.s32 $0x1BFF;
	s21 =	sshll.u32 s8, $0x1;
	s5 =	sadd.s32 s19, s18  }
0xa3: {  	s9 =	simm.s32 $0x0;
	s20 =	sshll.u32 s7, $0x1;
	s7 =	sadd.s32 s21, s5  }
0xa4: {  	[timem:s9], [sflag:s22] =	dma.local [hbm:s7], s20  }
0xa5: {  	_ =	swait.ge [sflag:s22], s20  }
0xa6: {  	s6 =	ssub.s32 $0x0, s20;
	[sflag:s22] =	ssyncset.done $0x0  }
0xa7: {  	[sflag:s22] =	ssyncadd.s32 s6;
	_ =	sdelay $0x1  }
0xa8: {  	s23 =	simm.s32 $0x1B8B  }
0xa9: {  	_ =	swait.ge [sflag:s23], $0x1  }
0xaa: {  	[sflag:s23] =	ssyncset.done $0x0  }
0xab: {  	s25 =	simm.s32 $0x1B8E;
	s24 =	sld [smem:$0x3FFE];
	[sflag:s23] =	ssyncadd.s32 $0xFFFFFFFF  }
0xac: {  	s26 =	simm.s32 $execute0_lowered;
	[smem:$0x3FD2] =	sst s25  }
0xad: {  	s7 =	sshll.u32 s26, $0x1;
	_ =	strace $0x80000046;
	[dreg:$0x1] =	wrdreg $0xFFFFFFFF  }
0xae: {  	s28 =	simm.s32 $_size_execute0_lowered;
	s5 =	sadd.s32 s5, s7;
	[dreg:$0x0] =	wrdreg $0x0  }
0xaf: {  	s7 =	sshll.u32 s28, $0x1;
	[dreg:$0x2] =	wrdreg s5  }
0xb0: {  	[dreg:$0x3] =	wrdreg s7  }
0xb1: {  	[dreg:$0x4] =	wrdreg $0xC0  }
0xb2: {  	_ =	task [dreg:s9], $0x5FFFF  }
0xb3: {  	[dreg:$0x1] =	wrdreg $0xFFFFFFFF  }
0xb4: {  	[dreg:$0x0] =	wrdreg $0x60  }
0xb5: {  	[dreg:$0x2] =	wrdreg s4  }
0xb6: {  	[dreg:$0x3] =	wrdreg s15  }
0xb7: {  	[dreg:$0x4] =	wrdreg s24  }
0xb8: {  	[dreg:$0x5] =	wrdreg s16  }
0xb9: {  	[dreg:$0x6] =	wrdreg $0x9  }
0xba: {  	_ =	task.clear_ibuf [dreg:s9], $0x7FFFF;
	_ =	strace $0x90000046  }
0xbb: {  	s29 =	simm.s32 $0x9;
	_ =	strace $0x80000048  }
0xbc: {  	_ =	swait.ge [sflag:s29], $0x1  }
0xbd: {  	[sflag:s29] =	ssyncadd.s32 $0xFFFFFFFF  }
0xbe: {  	_ =	strace $0x90000048  }
0xbf: {  	_ =	sfence  }
0xc0: {  	s30 =	sld [smem:$0x0];
	_ =	sdelay $0x2  }
0xc1: {  	s31 =	sshll.u32 s1, $0xD;
	s1 =	sshrl.u32 s1, $0x2  }
0xc2: {  	s3 =	sand.u32 $0x4000, s31;
	s1 =	sadd.s32 s1, s30  }
0xc3: {  	s0 =	sor.u32 s3, s0;
	s1 =	sshll.u32 s1, $0x11  }
0xc4: {  	s0 =	sor.u32 s1, s0  }
0xc5: {  	s0 =	sadd.s32 $0x8F2B, s0  }
0xc6: {  	[sflag:s0] =	ssyncadd.remote.s32 $0x1  }
0xc7: {  	_ =	sfence.sel $0xFFFF  }
0xc8: {  	[dreg:$0x0] =	wrdreg $0xFFFFFFFF;
	(pc) =	sbr.abs _section_cstart, $3  }
0xc9: {  	[dreg:$0x1] =	wrdreg $0xFFFFFFFF  }
0xca: {  	_ =	task.clear_ibuf [dreg:s9], $0x2FFFF;
	_ =	strace $0x9FFFFFFF  }
0xcb: {  	(tm) =	ssettm $0x7FFFFFFF  }
tec
execute0_lowered:
.L_overlay_start_1:
0x0: {  	(tag) =	ssettag $0x1  }
0x1: {  	s0 =	rddreg [dreg:$0x0]  }
0x2: {  	s1 =	rddreg [dreg:$0x1]  }
0x3: {  	s2 =	rddreg [dreg:$0x2]  }
0x4: {  	s6 =	rddreg [dreg:$0x3]  }
0x5: {  	s3 =	srdreg.scid;
	s17 =	stileid.u32;
	s19 =	simm.s32 $0x3  }
0x6: {  	s20 =	simm.s32 $0x1;
	s21 =	simm.s32 $0x2;
	s28 =	simm.s32 $0x400  }
0x7: {  	s29 =	simm.s32 $0x800;
	s30 =	simm.s32 $0xC00;
	s31 =	simm.s32 $0x1000  }
0x8: {  	s18 =	simm.s32 $0x1C00;
	s7 =	sand.u32 $0x1, s3;
	s3 =	simm.s32 $0x0  }
0x9: {  	s4 =	sshll.u32 s17, $0x8;
	s10 =	sadd.s32 $0x82580, s2;
	s11 =	sadd.s32 $0x82600, s2  }
0xa: {  	s12 =	sadd.s32 $0x82680, s2;
	s15 =	sshll.u32 s17, $0x12;
	s13 =	sadd.s32 $0x82700, s2  }
0xb: {  	s14 =	sadd.s32 $0x82780, s2;
	s25 =	sshll.u32 s17, $0xF;
	s5 =	sshll.u32 s7, $0x7  }
0xc: {  	[smem:$0x7FF] =	sst s3;
	s22 =	ssub.s32 $0x2, s7;
	s6 =	sadd.s32 s15, s6  }
0xd: {  	s16 =	sshll.u32 s7, $0x11;
	s0 =	sadd.s32 s15, s0;
	s26 =	sshll.u32 s7, $0xE  }
0xe: {  	s4 =	sor.u32 s5, s4;
	_ =	strace $0x80000047;
	s9 =	sshrl.u32 s22, $0x1  }
0xf: {  	s5 =	sadd.s32 $0x82400, s2;
	s24 =	sadd.s32 s16, s6;
	s0 =	sadd.s32 s16, s0  }
0x10: {  	s6 =	simm.s32 $0x0;
	s8 =	sshrl.u32 s4, $0x3;
	s4 =	sadd.s32 $0x2200, s2  }
.Ltmp0:
0x11: {  	s9 =	ssub.s32 s22, s9;
	[dreg:$0x7] =	wrdreg s24;
	(pc) =	sbr.rel .LBB2_1-.Ltmp0, $4  }
0x12: {  	[dreg:$0x8] =	wrdreg s0;
	s0 =	sor.u32 s26, s25;
	s8 =	sadd.s32 s8, s2  }
0x13: {  	s23 =	smax.u32 s9, $0x1;
	s9 =	sadd.s32 $0x82500, s2;
	[dreg:$0x9] =	wrdreg s0  }
0x14: {  	s0 =	simm.s32 $0x1400;
	s8 =	sadd.s32 $0x82200, s8;
	[dreg:$0x6] =	wrdreg s23  }
0x15: {  	[dreg:$0x5] =	wrdreg s8;
	s8 =	sadd.s32 $0x82480, s2;
	s2 =	simm.s32 $0x1800  }
.LBB2_23:
0x16: {  	s6 =	sadd.s32 $0x1, s6;
	s7 =	rddreg [dreg:$0x6]  }
0x17: {  	p0 =	sne.s32 s6, s7  }
.Ltmp1:
0x18: {  	_ = 	snop;
	(pc) =	sbr.rel @!p0 .LBB2_24-.Ltmp1, $1  }
0x19: {  	_ =	sdelay $0x3  }
.LBB2_1:
0x1a: {  	s7 =	rddreg [dreg:$0x5];
	s15 =	simm.s32 $0x8000  }
0x1b: {  	[tilespmem:s15], [sflag:$0x3] =	stream.linear.gather [hbm4b:s7+s3], $0x80, $0x38;
	[tilespmem:$0x8100] =	vst v63  }
.Ltmp2:
0x1c: {  	_ = 	snop;
	(pc) =	sbr.rel .LBB2_2-.Ltmp2, $4  }
0x1d: {  	_ =	swait.ge [sflag:s19], $0x80  }
0x1e: {  	s15 =	rddreg [dreg:$0x9]  }
0x1f: {  	s22 =	simm.s32 $0x0;
	[sflag:s19] =	ssyncset.done $0x0;
	s16 =	rddreg [dreg:$0x8]  }
0x20: {  	s7 =	simm.s32 $0x8002;
	s17 =	rddreg [dreg:$0x7];
	[sflag:s19] =	ssyncadd.s32 $0xFFFFFF80  }
.LBB2_20:
0x21: {  	s24 =	sand.u32 $0x7FC00, s15  }
0x22: {  	s25 =	sand.u32 $0x40, s22;
	s26 =	sshll.u32 s23, $0x7;
	s23 =	sshll.u32 s23, $0xA  }
0x23: {  	s26 =	sand.u32 $0x380, s26;
	s23 =	sand.u32 $0x2000, s23;
	s25 =	sadd.s32 s25, s4  }
0x24: {  	s24 =	sadd.s32 s24, s25;
	s23 =	sor.u32 s26, s23  }
0x25: {  	s25 =	sadd.s32 $0x30, s24;
	s26 =	sadd.s32 $0x6000, s23  }
0x26: {  	[tilespmem:s26], [sflag:$0x3] =	stream.linear.gather [hbm4b:s25+s3], $0x80, $0x38;
	[tilespmem:$0x8100] =	vst v63  }
0x27: {  	s25 =	sadd.s32 $0xB0, s24;
	s26 =	sadd.s32 $0x6400, s23  }
0x28: {  	[tilespmem:s26], [sflag:$0x3] =	stream.linear.gather [hbm4b:s25+s3], $0x80, $0x38;
	[tilespmem:$0x8100] =	vst v63  }
0x29: {  	s25 =	sadd.s32 $0x130, s24;
	s26 =	sadd.s32 $0x6800, s23  }
0x2a: {  	[tilespmem:s26], [sflag:$0x3] =	stream.linear.gather [hbm4b:s25+s3], $0x80, $0x38;
	[tilespmem:$0x8100] =	vst v63  }
0x2b: {  	s25 =	sadd.s32 $0x1B0, s24;
	s26 =	sadd.s32 $0x6C00, s23  }
0x2c: {  	[tilespmem:s26], [sflag:$0x3] =	stream.linear.gather [hbm4b:s25+s3], $0x80, $0x38;
	[tilespmem:$0x8100] =	vst v63  }
0x2d: {  	s25 =	sadd.s32 $0x230, s24;
	s26 =	sadd.s32 $0x7000, s23  }
0x2e: {  	[tilespmem:s26], [sflag:$0x3] =	stream.linear.gather [hbm4b:s25+s3], $0x80, $0x38;
	[tilespmem:$0x8100] =	vst v63  }
0x2f: {  	s25 =	sadd.s32 $0x2B0, s24;
	s26 =	sadd.s32 $0x7400, s23  }
0x30: {  	[tilespmem:s26], [sflag:$0x3] =	stream.linear.gather [hbm4b:s25+s3], $0x80, $0x38;
	[tilespmem:$0x8100] =	vst v63  }
0x31: {  	s25 =	sadd.s32 $0x330, s24;
	s26 =	sadd.s32 $0x7800, s23  }
0x32: {  	[tilespmem:s26], [sflag:$0x3] =	stream.linear.gather [hbm4b:s25+s3], $0x80, $0x38;
	[tilespmem:$0x8100] =	vst v63  }
0x33: {  	s24 =	sadd.s32 $0x3B0, s24;
	s23 =	sadd.s32 $0x7C00, s23  }
0x34: {  	[tilespmem:s23], [sflag:$0x3] =	stream.linear.gather [hbm4b:s24+s3], $0x80, $0x38;
	[tilespmem:$0x8100] =	vst v63  }
.LBB2_21:
0x35: {  	_ =	swait.ge [sflag:s19], $0x400  }
0x36: {  	[sflag:s19] =	ssyncset.done $0x0  }
0x37: {  	[sflag:s19] =	ssyncadd.s32 $0xFFFFFC00  }
.LBB2_22:
0x38: {  	s22 =	sadd.s32 $0x40, s22  }
0x39: {  	p0 =	sne.s32 s22, $0x800  }
.Ltmp3:
0x3a: {  	_ = 	snop;
	(pc) =	sbr.rel @!p0 .LBB2_23-.Ltmp3, $4  }
0x3b: {  	[hbm4b:s17+s3] =	stream.linear.scatter [tilespmem:s3], [sflag:$0x2], $0x8000, $0x38;
	[tilespmem:$0x8100] =	vst v63  }
0x3c: {  	_ =	swait.ge [sflag:s21], $0x8000  }
0x3d: {  	s17 =	sadd.s32 $0x1000, s17;
	s16 =	sadd.s32 $0x1000, s16;
	[sflag:s21] =	ssyncset.done $0x0  }
0x3e: {  	s15 =	sadd.s32 $0x200, s15;
	s7 =	sadd.s32 $0x4, s7;
	[sflag:s21] =	ssyncadd.s32 $0xFFFF8000  }
.LBB2_2:
0x3f: {  	[tilespmem:s3], [sflag:$0x1] =	stream.linear.gather [hbm4b:s16+s3], $0x8000, $0x38;
	[tilespmem:$0x8100] =	vst v63  }
0x40: {  	_ =	swait.ge [sflag:s20], $0x8000  }
0x41: {  	[sflag:s20] =	ssyncset.done $0x0  }
0x42: {  	[sflag:s20] =	ssyncadd.s32 $0xFFFF8000  }
0x43: {  	v0 =	vld [tilespmem:s7+$0xFFFFFFFE];
	_ =	sdelay $0x4  }
0x44: {  	(v2sf) =	vpush v0, $0x0;
	_ =	sdelay $0xe  }
0x45: {  	s23 =	spop (v2sf)  }
0x46: {  	s24 =	sshra.s32 s23, $0x4  }
0x47: {  	p0 =	seq.s32 s24, $0x2  }
.Ltmp4:
0x48: {  	_ = 	snop;
	(pc) =	sbr.rel @p0 .LBB2_5-.Ltmp4, $1  }
0x49: {  	_ =	sdelay $0x3  }
0x4a: {  	p0 =	sne.s32 s24, $0x1  }
.Ltmp5:
0x4b: {  	_ = 	snop;
	(pc) =	sbr.rel @p0 .LBB2_7-.Ltmp5, $1  }
0x4c: {  	_ =	sdelay $0x3  }
0x4d: {  	s23 =	simm.s32 $0x80  }
0x4e: {  	[tilespmem:s23], [sflag:$0x3] =	stream.linear.gather [hbm4b:s5+s3], $0x380, $0x38;
	[tilespmem:$0x8100] =	vst v63  }
0x4f: {  	s24 =	simm.s32 $0x480  }
0x50: {  	[tilespmem:s24], [sflag:$0x3] =	stream.linear.gather [hbm4b:s8+s3], $0x380, $0x38;
	[tilespmem:$0x8100] =	vst v63  }
0x51: {  	s25 =	simm.s32 $0x880  }
0x52: {  	[tilespmem:s25], [sflag:$0x3] =	stream.linear.gather [hbm4b:s9+s3], $0x380, $0x38;
	[tilespmem:$0x8100] =	vst v63  }
0x53: {  	s26 =	simm.s32 $0xC80  }
0x54: {  	[tilespmem:s26], [sflag:$0x3] =	stream.linear.gather [hbm4b:s10+s3], $0x380, $0x38;
	[tilespmem:$0x8100] =	vst v63  }
0x55: {  	s24 =	simm.s32 $0x1080  }
0x56: {  	[tilespmem:s24], [sflag:$0x3] =	stream.linear.gather [hbm4b:s11+s3], $0x380, $0x38;
	[tilespmem:$0x8100] =	vst v63  }
0x57: {  	s25 =	simm.s32 $0x1480  }
0x58: {  	[tilespmem:s25], [sflag:$0x3] =	stream.linear.gather [hbm4b:s12+s3], $0x380, $0x38;
	[tilespmem:$0x8100] =	vst v63  }
0x59: {  	s26 =	simm.s32 $0x1880  }
0x5a: {  	[tilespmem:s26], [sflag:$0x3] =	stream.linear.gather [hbm4b:s13+s3], $0x380, $0x38;
	[tilespmem:$0x8100] =	vst v63  }
0x5b: {  	s24 =	simm.s32 $0x1C80  }
0x5c: {  	[tilespmem:s24], [sflag:$0x3] =	stream.linear.gather [hbm4b:s14+s3], $0x380, $0x38;
	[tilespmem:$0x8100] =	vst v63  }
0x5d: {  	s25 =	sand.u32 $0x40, s22;
	_ =	swait.ge [sflag:s19], $0x1C00  }
0x5e: {  	s23 =	sadd.s32 s1, s25;
	s24 =	sand.u32 $0x7FC00, s15;
	[sflag:s19] =	ssyncset.done $0x0  }
0x5f: {  	s23 =	sadd.s32 s24, s23;
	[sflag:s19] =	ssyncadd.s32 $0xFFFFE400  }
0x60: {  	[tilespmem:s3], [sflag:$0x3] =	stream.linear.gather [hbm4b:s23+s3], $0x80, $0x38;
	[tilespmem:$0x8100] =	vst v63  }
0x61: {  	s24 =	sadd.s32 $0x80, s23  }
0x62: {  	[tilespmem:s28], [sflag:$0x3] =	stream.linear.gather [hbm4b:s24+s3], $0x80, $0x38;
	[tilespmem:$0x8100] =	vst v63  }
0x63: {  	s26 =	sadd.s32 $0x100, s23  }
0x64: {  	[tilespmem:s29], [sflag:$0x3] =	stream.linear.gather [hbm4b:s26+s3], $0x80, $0x38;
	[tilespmem:$0x8100] =	vst v63  }
0x65: {  	s25 =	sadd.s32 $0x180, s23  }
0x66: {  	[tilespmem:s30], [sflag:$0x3] =	stream.linear.gather [hbm4b:s25+s3], $0x80, $0x38;
	[tilespmem:$0x8100] =	vst v63  }
0x67: {  	s26 =	sadd.s32 $0x200, s23  }
0x68: {  	[tilespmem:s31], [sflag:$0x3] =	stream.linear.gather [hbm4b:s26+s3], $0x80, $0x38;
	[tilespmem:$0x8100] =	vst v63  }
0x69: {  	s25 =	sadd.s32 $0x280, s23  }
0x6a: {  	[tilespmem:s0], [sflag:$0x3] =	stream.linear.gather [hbm4b:s25+s3], $0x80, $0x38;
	[tilespmem:$0x8100] =	vst v63  }
.Ltmp6:
0x6b: {  	_ = 	snop;
	(pc) =	sbr.rel .LBB2_6-.Ltmp6, $4  }
0x6c: {  	s26 =	sadd.s32 $0x300, s23  }
0x6d: {  	[tilespmem:s2], [sflag:$0x3] =	stream.linear.gather [hbm4b:s26+s3], $0x80, $0x38;
	[tilespmem:$0x8100] =	vst v63  }
0x6e: {  	s23 =	sadd.s32 $0x380, s23  }
0x6f: {  	[tilespmem:s18], [sflag:$0x3] =	stream.linear.gather [hbm4b:s23+s3], $0x80, $0x38;
	[tilespmem:$0x8100] =	vst v63  }
.LBB2_5:
0x70: {  	s24 =	sand.u32 $0x7FC00, s15  }
0x71: {  	s25 =	sand.u32 $0x40, s22;
	s26 =	sshll.u32 s23, $0x7;
	s23 =	sshll.u32 s23, $0xA  }
0x72: {  	s26 =	sand.u32 $0x380, s26;
	s23 =	sand.u32 $0x2000, s23;
	s25 =	sadd.s32 s4, s25  }
0x73: {  	s24 =	sadd.s32 s24, s25;
	s23 =	sor.u32 s26, s23  }
0x74: {  	[tilespmem:s23], [sflag:$0x3] =	stream.linear.gather [hbm4b:s24+s3], $0x80, $0x38;
	[tilespmem:$0x8100] =	vst v63  }
0x75: {  	s25 =	sadd.s32 $0x80, s24;
	s26 =	sor.u32 $0x400, s23  }
0x76: {  	[tilespmem:s26], [sflag:$0x3] =	stream.linear.gather [hbm4b:s25+s3], $0x80, $0x38;
	[tilespmem:$0x8100] =	vst v63  }
0x77: {  	s25 =	sadd.s32 $0x100, s24;
	s26 =	sor.u32 $0x800, s23  }
0x78: {  	[tilespmem:s26], [sflag:$0x3] =	stream.linear.gather [hbm4b:s25+s3], $0x80, $0x38;
	[tilespmem:$0x8100] =	vst v63  }
0x79: {  	s25 =	sadd.s32 $0x180, s24;
	s26 =	sor.u32 $0xC00, s23  }
0x7a: {  	[tilespmem:s26], [sflag:$0x3] =	stream.linear.gather [hbm4b:s25+s3], $0x80, $0x38;
	[tilespmem:$0x8100] =	vst v63  }
0x7b: {  	s25 =	sadd.s32 $0x200, s24;
	s26 =	sor.u32 $0x1000, s23  }
0x7c: {  	[tilespmem:s26], [sflag:$0x3] =	stream.linear.gather [hbm4b:s25+s3], $0x80, $0x38;
	[tilespmem:$0x8100] =	vst v63  }
0x7d: {  	s25 =	sadd.s32 $0x280, s24;
	s26 =	sor.u32 $0x1400, s23  }
0x7e: {  	[tilespmem:s26], [sflag:$0x3] =	stream.linear.gather [hbm4b:s25+s3], $0x80, $0x38;
	[tilespmem:$0x8100] =	vst v63  }
0x7f: {  	s25 =	sadd.s32 $0x300, s24;
	s26 =	sor.u32 $0x1800, s23  }
0x80: {  	[tilespmem:s26], [sflag:$0x3] =	stream.linear.gather [hbm4b:s25+s3], $0x80, $0x38;
	[tilespmem:$0x8100] =	vst v63  }
0x81: {  	s24 =	sadd.s32 $0x380, s24;
	s23 =	sor.u32 $0x1C00, s23  }
0x82: {  	[tilespmem:s23], [sflag:$0x3] =	stream.linear.gather [hbm4b:s24+s3], $0x80, $0x38;
	[tilespmem:$0x8100] =	vst v63  }
.LBB2_6:
0x83: {  	_ =	swait.ge [sflag:s19], $0x400  }
0x84: {  	[sflag:s19] =	ssyncset.done $0x0  }
0x85: {  	[sflag:s19] =	ssyncadd.s32 $0xFFFFFC00  }
.LBB2_7:
0x86: {  	v0 =	vld [tilespmem:s7+$0xFFFFFFFF];
	_ =	sdelay $0x4  }
0x87: {  	(v2sf) =	vpush v0, $0x0;
	_ =	sdelay $0xe  }
0x88: {  	s23 =	spop (v2sf)  }
0x89: {  	s24 =	sshra.s32 s23, $0x4  }
0x8a: {  	p0 =	seq.s32 s24, $0x2  }
.Ltmp7:
0x8b: {  	_ = 	snop;
	(pc) =	sbr.rel @p0 .LBB2_10-.Ltmp7, $1  }
0x8c: {  	_ =	sdelay $0x3  }
0x8d: {  	p0 =	sne.s32 s24, $0x1  }
.Ltmp8:
0x8e: {  	_ = 	snop;
	(pc) =	sbr.rel @p0 .LBB2_12-.Ltmp8, $1  }
0x8f: {  	_ =	sdelay $0x3  }
0x90: {  	s23 =	simm.s32 $0x2080  }
0x91: {  	[tilespmem:s23], [sflag:$0x3] =	stream.linear.gather [hbm4b:s5+s3], $0x380, $0x38;
	[tilespmem:$0x8100] =	vst v63  }
0x92: {  	s25 =	simm.s32 $0x2480  }
0x93: {  	[tilespmem:s25], [sflag:$0x3] =	stream.linear.gather [hbm4b:s8+s3], $0x380, $0x38;
	[tilespmem:$0x8100] =	vst v63  }
0x94: {  	s26 =	simm.s32 $0x2880  }
0x95: {  	[tilespmem:s26], [sflag:$0x3] =	stream.linear.gather [hbm4b:s9+s3], $0x380, $0x38;
	[tilespmem:$0x8100] =	vst v63  }
0x96: {  	s24 =	simm.s32 $0x2C80  }
0x97: {  	[tilespmem:s24], [sflag:$0x3] =	stream.linear.gather [hbm4b:s10+s3], $0x380, $0x38;
	[tilespmem:$0x8100] =	vst v63  }
0x98: {  	s25 =	simm.s32 $0x3080  }
0x99: {  	[tilespmem:s25], [sflag:$0x3] =	stream.linear.gather [hbm4b:s11+s3], $0x380, $0x38;
	[tilespmem:$0x8100] =	vst v63  }
0x9a: {  	s26 =	simm.s32 $0x3480  }
0x9b: {  	[tilespmem:s26], [sflag:$0x3] =	stream.linear.gather [hbm4b:s12+s3], $0x380, $0x38;
	[tilespmem:$0x8100] =	vst v63  }
0x9c: {  	s24 =	simm.s32 $0x3880  }
0x9d: {  	[tilespmem:s24], [sflag:$0x3] =	stream.linear.gather [hbm4b:s13+s3], $0x380, $0x38;
	[tilespmem:$0x8100] =	vst v63  }
0x9e: {  	s25 =	simm.s32 $0x3C80;
	s26 =	sand.u32 $0x40, s22  }
0x9f: {  	[tilespmem:s25], [sflag:$0x3] =	stream.linear.gather [hbm4b:s14+s3], $0x380, $0x38;
	[tilespmem:$0x8100] =	vst v63  }
0xa0: {  	s23 =	sadd.s32 s26, s1;
	s24 =	sand.u32 $0x7FC00, s15;
	_ =	swait.ge [sflag:s19], $0x1C00  }
0xa1: {  	s23 =	sadd.s32 s24, s23;
	[sflag:s19] =	ssyncset.done $0x0  }
0xa2: {  	s24 =	sadd.s32 $0x10, s23;
	s25 =	simm.s32 $0x2000;
	[sflag:s19] =	ssyncadd.s32 $0xFFFFE400  }
0xa3: {  	[tilespmem:s25], [sflag:$0x3] =	stream.linear.gather [hbm4b:s24+s3], $0x80, $0x38;
	[tilespmem:$0x8100] =	vst v63  }
0xa4: {  	s26 =	simm.s32 $0x2400;
	s25 =	sadd.s32 $0x90, s23  }
0xa5: {  	[tilespmem:s26], [sflag:$0x3] =	stream.linear.gather [hbm4b:s25+s3], $0x80, $0x38;
	[tilespmem:$0x8100] =	vst v63  }
0xa6: {  	s25 =	sadd.s32 $0x110, s23;
	s26 =	simm.s32 $0x2800  }
0xa7: {  	[tilespmem:s26], [sflag:$0x3] =	stream.linear.gather [hbm4b:s25+s3], $0x80, $0x38;
	[tilespmem:$0x8100] =	vst v63  }
0xa8: {  	s25 =	sadd.s32 $0x190, s23;
	s26 =	simm.s32 $0x2C00  }
0xa9: {  	[tilespmem:s26], [sflag:$0x3] =	stream.linear.gather [hbm4b:s25+s3], $0x80, $0x38;
	[tilespmem:$0x8100] =	vst v63  }
0xaa: {  	s25 =	sadd.s32 $0x210, s23;
	s26 =	simm.s32 $0x3000  }
0xab: {  	[tilespmem:s26], [sflag:$0x3] =	stream.linear.gather [hbm4b:s25+s3], $0x80, $0x38;
	[tilespmem:$0x8100] =	vst v63  }
0xac: {  	s25 =	sadd.s32 $0x290, s23;
	s26 =	simm.s32 $0x3400  }
0xad: {  	[tilespmem:s26], [sflag:$0x3] =	stream.linear.gather [hbm4b:s25+s3], $0x80, $0x38;
	[tilespmem:$0x8100] =	vst v63  }
.Ltmp9:
0xae: {  	_ = 	snop;
	(pc) =	sbr.rel .LBB2_11-.Ltmp9, $4  }
0xaf: {  	s25 =	sadd.s32 $0x310, s23;
	s26 =	simm.s32 $0x3800  }
0xb0: {  	[tilespmem:s26], [sflag:$0x3] =	stream.linear.gather [hbm4b:s25+s3], $0x80, $0x38;
	[tilespmem:$0x8100] =	vst v63  }
0xb1: {  	s23 =	sadd.s32 $0x390, s23;
	s26 =	simm.s32 $0x3C00  }
0xb2: {  	[tilespmem:s26], [sflag:$0x3] =	stream.linear.gather [hbm4b:s23+s3], $0x80, $0x38;
	[tilespmem:$0x8100] =	vst v63  }
.LBB2_10:
0xb3: {  	s24 =	sand.u32 $0x7FC00, s15  }
0xb4: {  	s25 =	sand.u32 $0x40, s22;
	s26 =	sshll.u32 s23, $0x7;
	s23 =	sshll.u32 s23, $0xA  }
0xb5: {  	s26 =	sand.u32 $0x380, s26;
	s23 =	sand.u32 $0x2000, s23;
	s25 =	sadd.s32 s25, s4  }
0xb6: {  	s24 =	sadd.s32 s24, s25;
	s23 =	sor.u32 s26, s23  }
0xb7: {  	s25 =	sadd.s32 $0x10, s24;
	s26 =	sadd.s32 $0x2000, s23  }
0xb8: {  	[tilespmem:s26], [sflag:$0x3] =	stream.linear.gather [hbm4b:s25+s3], $0x80, $0x38;
	[tilespmem:$0x8100] =	vst v63  }
0xb9: {  	s25 =	sadd.s32 $0x90, s24;
	s26 =	sadd.s32 $0x2400, s23  }
0xba: {  	[tilespmem:s26], [sflag:$0x3] =	stream.linear.gather [hbm4b:s25+s3], $0x80, $0x38;
	[tilespmem:$0x8100] =	vst v63  }
0xbb: {  	s25 =	sadd.s32 $0x110, s24;
	s26 =	sadd.s32 $0x2800, s23  }
0xbc: {  	[tilespmem:s26], [sflag:$0x3] =	stream.linear.gather [hbm4b:s25+s3], $0x80, $0x38;
	[tilespmem:$0x8100] =	vst v63  }
0xbd: {  	s25 =	sadd.s32 $0x190, s24;
	s26 =	sadd.s32 $0x2C00, s23  }
0xbe: {  	[tilespmem:s26], [sflag:$0x3] =	stream.linear.gather [hbm4b:s25+s3], $0x80, $0x38;
	[tilespmem:$0x8100] =	vst v63  }
0xbf: {  	s25 =	sadd.s32 $0x210, s24;
	s26 =	sadd.s32 $0x3000, s23  }
0xc0: {  	[tilespmem:s26], [sflag:$0x3] =	stream.linear.gather [hbm4b:s25+s3], $0x80, $0x38;
	[tilespmem:$0x8100] =	vst v63  }
0xc1: {  	s25 =	sadd.s32 $0x290, s24;
	s26 =	sadd.s32 $0x3400, s23  }
0xc2: {  	[tilespmem:s26], [sflag:$0x3] =	stream.linear.gather [hbm4b:s25+s3], $0x80, $0x38;
	[tilespmem:$0x8100] =	vst v63  }
0xc3: {  	s25 =	sadd.s32 $0x310, s24;
	s26 =	sadd.s32 $0x3800, s23  }
0xc4: {  	[tilespmem:s26], [sflag:$0x3] =	stream.linear.gather [hbm4b:s25+s3], $0x80, $0x38;
	[tilespmem:$0x8100] =	vst v63  }
0xc5: {  	s24 =	sadd.s32 $0x390, s24;
	s23 =	sadd.s32 $0x3C00, s23  }
0xc6: {  	[tilespmem:s23], [sflag:$0x3] =	stream.linear.gather [hbm4b:s24+s3], $0x80, $0x38;
	[tilespmem:$0x8100] =	vst v63  }
.LBB2_11:
0xc7: {  	_ =	swait.ge [sflag:s19], $0x400  }
0xc8: {  	[sflag:s19] =	ssyncset.done $0x0  }
0xc9: {  	[sflag:s19] =	ssyncadd.s32 $0xFFFFFC00  }
.LBB2_12:
0xca: {  	v0 =	vld [tilespmem:s7+$0x0];
	_ =	sdelay $0x4  }
0xcb: {  	(v2sf) =	vpush v0, $0x0;
	_ =	sdelay $0xe  }
0xcc: {  	s23 =	spop (v2sf)  }
0xcd: {  	s24 =	sshra.s32 s23, $0x4  }
0xce: {  	p0 =	seq.s32 s24, $0x2  }
.Ltmp10:
0xcf: {  	_ = 	snop;
	(pc) =	sbr.rel @p0 .LBB2_15-.Ltmp10, $1  }
0xd0: {  	_ =	sdelay $0x3  }
0xd1: {  	p0 =	sne.s32 s24, $0x1  }
.Ltmp11:
0xd2: {  	_ = 	snop;
	(pc) =	sbr.rel @p0 .LBB2_17-.Ltmp11, $1  }
0xd3: {  	_ =	sdelay $0x3  }
0xd4: {  	s23 =	simm.s32 $0x4080  }
0xd5: {  	[tilespmem:s23], [sflag:$0x3] =	stream.linear.gather [hbm4b:s5+s3], $0x380, $0x38;
	[tilespmem:$0x8100] =	vst v63  }
0xd6: {  	s25 =	simm.s32 $0x4480  }
0xd7: {  	[tilespmem:s25], [sflag:$0x3] =	stream.linear.gather [hbm4b:s8+s3], $0x380, $0x38;
	[tilespmem:$0x8100] =	vst v63  }
0xd8: {  	s26 =	simm.s32 $0x4880  }
0xd9: {  	[tilespmem:s26], [sflag:$0x3] =	stream.linear.gather [hbm4b:s9+s3], $0x380, $0x38;
	[tilespmem:$0x8100] =	vst v63  }
0xda: {  	s24 =	simm.s32 $0x4C80  }
0xdb: {  	[tilespmem:s24], [sflag:$0x3] =	stream.linear.gather [hbm4b:s10+s3], $0x380, $0x38;
	[tilespmem:$0x8100] =	vst v63  }
0xdc: {  	s25 =	simm.s32 $0x5080  }
0xdd: {  	[tilespmem:s25], [sflag:$0x3] =	stream.linear.gather [hbm4b:s11+s3], $0x380, $0x38;
	[tilespmem:$0x8100] =	vst v63  }
0xde: {  	s26 =	simm.s32 $0x5480  }
0xdf: {  	[tilespmem:s26], [sflag:$0x3] =	stream.linear.gather [hbm4b:s12+s3], $0x380, $0x38;
	[tilespmem:$0x8100] =	vst v63  }
0xe0: {  	s24 =	simm.s32 $0x5880  }
0xe1: {  	[tilespmem:s24], [sflag:$0x3] =	stream.linear.gather [hbm4b:s13+s3], $0x380, $0x38;
	[tilespmem:$0x8100] =	vst v63  }
0xe2: {  	s25 =	simm.s32 $0x5C80;
	s26 =	sand.u32 $0x40, s22  }
0xe3: {  	[tilespmem:s25], [sflag:$0x3] =	stream.linear.gather [hbm4b:s14+s3], $0x380, $0x38;
	[tilespmem:$0x8100] =	vst v63  }
0xe4: {  	s23 =	sadd.s32 s26, s1;
	s24 =	sand.u32 $0x7FC00, s15;
	_ =	swait.ge [sflag:s19], $0x1C00  }
0xe5: {  	s23 =	sadd.s32 s24, s23;
	[sflag:s19] =	ssyncset.done $0x0  }
0xe6: {  	s24 =	sadd.s32 $0x20, s23;
	s25 =	simm.s32 $0x4000;
	[sflag:s19] =	ssyncadd.s32 $0xFFFFE400  }
0xe7: {  	[tilespmem:s25], [sflag:$0x3] =	stream.linear.gather [hbm4b:s24+s3], $0x80, $0x38;
	[tilespmem:$0x8100] =	vst v63  }
0xe8: {  	s26 =	simm.s32 $0x4400;
	s25 =	sadd.s32 $0xA0, s23  }
0xe9: {  	[tilespmem:s26], [sflag:$0x3] =	stream.linear.gather [hbm4b:s25+s3], $0x80, $0x38;
	[tilespmem:$0x8100] =	vst v63  }
0xea: {  	s25 =	sadd.s32 $0x120, s23;
	s26 =	simm.s32 $0x4800  }
0xeb: {  	[tilespmem:s26], [sflag:$0x3] =	stream.linear.gather [hbm4b:s25+s3], $0x80, $0x38;
	[tilespmem:$0x8100] =	vst v63  }
0xec: {  	s25 =	sadd.s32 $0x1A0, s23;
	s26 =	simm.s32 $0x4C00  }
0xed: {  	[tilespmem:s26], [sflag:$0x3] =	stream.linear.gather [hbm4b:s25+s3], $0x80, $0x38;
	[tilespmem:$0x8100] =	vst v63  }
0xee: {  	s25 =	sadd.s32 $0x220, s23;
	s26 =	simm.s32 $0x5000  }
0xef: {  	[tilespmem:s26], [sflag:$0x3] =	stream.linear.gather [hbm4b:s25+s3], $0x80, $0x38;
	[tilespmem:$0x8100] =	vst v63  }
0xf0: {  	s25 =	sadd.s32 $0x2A0, s23;
	s26 =	simm.s32 $0x5400  }
0xf1: {  	[tilespmem:s26], [sflag:$0x3] =	stream.linear.gather [hbm4b:s25+s3], $0x80, $0x38;
	[tilespmem:$0x8100] =	vst v63  }
.Ltmp12:
0xf2: {  	_ = 	snop;
	(pc) =	sbr.rel .LBB2_16-.Ltmp12, $4  }
0xf3: {  	s25 =	sadd.s32 $0x320, s23;
	s26 =	simm.s32 $0x5800  }
0xf4: {  	[tilespmem:s26], [sflag:$0x3] =	stream.linear.gather [hbm4b:s25+s3], $0x80, $0x38;
	[tilespmem:$0x8100] =	vst v63  }
0xf5: {  	s23 =	sadd.s32 $0x3A0, s23;
	s26 =	simm.s32 $0x5C00  }
0xf6: {  	[tilespmem:s26], [sflag:$0x3] =	stream.linear.gather [hbm4b:s23+s3], $0x80, $0x38;
	[tilespmem:$0x8100] =	vst v63  }
.LBB2_15:
0xf7: {  	s24 =	sand.u32 $0x7FC00, s15  }
0xf8: {  	s25 =	sand.u32 $0x40, s22;
	s26 =	sshll.u32 s23, $0x7;
	s23 =	sshll.u32 s23, $0xA  }
0xf9: {  	s26 =	sand.u32 $0x380, s26;
	s23 =	sand.u32 $0x2000, s23;
	s25 =	sadd.s32 s25, s4  }
0xfa: {  	s24 =	sadd.s32 s24, s25;
	s23 =	sor.u32 s26, s23  }
0xfb: {  	s25 =	sadd.s32 $0x20, s24;
	s26 =	sor.u32 $0x4000, s23  }
0xfc: {  	[tilespmem:s26], [sflag:$0x3] =	stream.linear.gather [hbm4b:s25+s3], $0x80, $0x38;
	[tilespmem:$0x8100] =	vst v63  }
0xfd: {  	s25 =	sadd.s32 $0xA0, s24;
	s26 =	sor.u32 $0x4400, s23  }
0xfe: {  	[tilespmem:s26], [sflag:$0x3] =	stream.linear.gather [hbm4b:s25+s3], $0x80, $0x38;
	[tilespmem:$0x8100] =	vst v63  }
0xff: {  	s25 =	sadd.s32 $0x120, s24;
	s26 =	sor.u32 $0x4800, s23  }
0x100: {  	[tilespmem:s26], [sflag:$0x3] =	stream.linear.gather [hbm4b:s25+s3], $0x80, $0x38;
	[tilespmem:$0x8100] =	vst v63  }
0x101: {  	s25 =	sadd.s32 $0x1A0, s24;
	s26 =	sor.u32 $0x4C00, s23  }
0x102: {  	[tilespmem:s26], [sflag:$0x3] =	stream.linear.gather [hbm4b:s25+s3], $0x80, $0x38;
	[tilespmem:$0x8100] =	vst v63  }
0x103: {  	s25 =	sadd.s32 $0x220, s24;
	s26 =	sor.u32 $0x5000, s23  }
0x104: {  	[tilespmem:s26], [sflag:$0x3] =	stream.linear.gather [hbm4b:s25+s3], $0x80, $0x38;
	[tilespmem:$0x8100] =	vst v63  }
0x105: {  	s25 =	sadd.s32 $0x2A0, s24;
	s26 =	sor.u32 $0x5400, s23  }
0x106: {  	[tilespmem:s26], [sflag:$0x3] =	stream.linear.gather [hbm4b:s25+s3], $0x80, $0x38;
	[tilespmem:$0x8100] =	vst v63  }
0x107: {  	s25 =	sadd.s32 $0x320, s24;
	s26 =	sor.u32 $0x5800, s23  }
0x108: {  	[tilespmem:s26], [sflag:$0x3] =	stream.linear.gather [hbm4b:s25+s3], $0x80, $0x38;
	[tilespmem:$0x8100] =	vst v63  }
0x109: {  	s24 =	sadd.s32 $0x3A0, s24;
	s23 =	sor.u32 $0x5C00, s23  }
0x10a: {  	[tilespmem:s23], [sflag:$0x3] =	stream.linear.gather [hbm4b:s24+s3], $0x80, $0x38;
	[tilespmem:$0x8100] =	vst v63  }
.LBB2_16:
0x10b: {  	_ =	swait.ge [sflag:s19], $0x400  }
0x10c: {  	[sflag:s19] =	ssyncset.done $0x0  }
0x10d: {  	[sflag:s19] =	ssyncadd.s32 $0xFFFFFC00  }
.LBB2_17:
0x10e: {  	v0 =	vld [tilespmem:s7+$0x1];
	_ =	sdelay $0x4  }
0x10f: {  	(v2sf) =	vpush v0, $0x0;
	_ =	sdelay $0xe  }
0x110: {  	s23 =	spop (v2sf)  }
0x111: {  	s24 =	sshra.s32 s23, $0x4  }
0x112: {  	p0 =	seq.s32 s24, $0x2  }
.Ltmp13:
0x113: {  	_ = 	snop;
	(pc) =	sbr.rel @p0 .LBB2_20-.Ltmp13, $1  }
0x114: {  	_ =	sdelay $0x3  }
0x115: {  	p0 =	sne.s32 s24, $0x1  }
.Ltmp14:
0x116: {  	_ = 	snop;
	(pc) =	sbr.rel @p0 .LBB2_22-.Ltmp14, $1  }
0x117: {  	_ =	sdelay $0x3  }
0x118: {  	s23 =	simm.s32 $0x6080  }
0x119: {  	[tilespmem:s23], [sflag:$0x3] =	stream.linear.gather [hbm4b:s5+s3], $0x380, $0x38;
	[tilespmem:$0x8100] =	vst v63  }
0x11a: {  	s25 =	simm.s32 $0x6480  }
0x11b: {  	[tilespmem:s25], [sflag:$0x3] =	stream.linear.gather [hbm4b:s8+s3], $0x380, $0x38;
	[tilespmem:$0x8100] =	vst v63  }
0x11c: {  	s26 =	simm.s32 $0x6880  }
0x11d: {  	[tilespmem:s26], [sflag:$0x3] =	stream.linear.gather [hbm4b:s9+s3], $0x380, $0x38;
	[tilespmem:$0x8100] =	vst v63  }
0x11e: {  	s24 =	simm.s32 $0x6C80  }
0x11f: {  	[tilespmem:s24], [sflag:$0x3] =	stream.linear.gather [hbm4b:s10+s3], $0x380, $0x38;
	[tilespmem:$0x8100] =	vst v63  }
0x120: {  	s25 =	simm.s32 $0x7080  }
0x121: {  	[tilespmem:s25], [sflag:$0x3] =	stream.linear.gather [hbm4b:s11+s3], $0x380, $0x38;
	[tilespmem:$0x8100] =	vst v63  }
0x122: {  	s26 =	simm.s32 $0x7480  }
0x123: {  	[tilespmem:s26], [sflag:$0x3] =	stream.linear.gather [hbm4b:s12+s3], $0x380, $0x38;
	[tilespmem:$0x8100] =	vst v63  }
0x124: {  	s24 =	simm.s32 $0x7880  }
0x125: {  	[tilespmem:s24], [sflag:$0x3] =	stream.linear.gather [hbm4b:s13+s3], $0x380, $0x38;
	[tilespmem:$0x8100] =	vst v63  }
0x126: {  	s25 =	simm.s32 $0x7C80;
	s26 =	sand.u32 $0x40, s22  }
0x127: {  	[tilespmem:s25], [sflag:$0x3] =	stream.linear.gather [hbm4b:s14+s3], $0x380, $0x38;
	[tilespmem:$0x8100] =	vst v63  }
0x128: {  	s23 =	sadd.s32 s26, s1;
	s24 =	sand.u32 $0x7FC00, s15;
	_ =	swait.ge [sflag:s19], $0x1C00  }
0x129: {  	s23 =	sadd.s32 s24, s23;
	[sflag:s19] =	ssyncset.done $0x0  }
0x12a: {  	s24 =	sadd.s32 $0x30, s23;
	s25 =	simm.s32 $0x6000;
	[sflag:s19] =	ssyncadd.s32 $0xFFFFE400  }
0x12b: {  	[tilespmem:s25], [sflag:$0x3] =	stream.linear.gather [hbm4b:s24+s3], $0x80, $0x38;
	[tilespmem:$0x8100] =	vst v63  }
0x12c: {  	s26 =	simm.s32 $0x6400;
	s25 =	sadd.s32 $0xB0, s23  }
0x12d: {  	[tilespmem:s26], [sflag:$0x3] =	stream.linear.gather [hbm4b:s25+s3], $0x80, $0x38;
	[tilespmem:$0x8100] =	vst v63  }
0x12e: {  	s25 =	sadd.s32 $0x130, s23;
	s26 =	simm.s32 $0x6800  }
0x12f: {  	[tilespmem:s26], [sflag:$0x3] =	stream.linear.gather [hbm4b:s25+s3], $0x80, $0x38;
	[tilespmem:$0x8100] =	vst v63  }
0x130: {  	s25 =	sadd.s32 $0x1B0, s23;
	s26 =	simm.s32 $0x6C00  }
0x131: {  	[tilespmem:s26], [sflag:$0x3] =	stream.linear.gather [hbm4b:s25+s3], $0x80, $0x38;
	[tilespmem:$0x8100] =	vst v63  }
0x132: {  	s25 =	sadd.s32 $0x230, s23;
	s26 =	simm.s32 $0x7000  }
0x133: {  	[tilespmem:s26], [sflag:$0x3] =	stream.linear.gather [hbm4b:s25+s3], $0x80, $0x38;
	[tilespmem:$0x8100] =	vst v63  }
0x134: {  	s25 =	sadd.s32 $0x2B0, s23;
	s26 =	simm.s32 $0x7400  }
0x135: {  	[tilespmem:s26], [sflag:$0x3] =	stream.linear.gather [hbm4b:s25+s3], $0x80, $0x38;
	[tilespmem:$0x8100] =	vst v63  }
.Ltmp15:
0x136: {  	_ = 	snop;
	(pc) =	sbr.rel .LBB2_21-.Ltmp15, $4  }
0x137: {  	s25 =	sadd.s32 $0x330, s23;
	s26 =	simm.s32 $0x7800  }
0x138: {  	[tilespmem:s26], [sflag:$0x3] =	stream.linear.gather [hbm4b:s25+s3], $0x80, $0x38;
	[tilespmem:$0x8100] =	vst v63  }
0x139: {  	s23 =	sadd.s32 $0x3B0, s23;
	s26 =	simm.s32 $0x7C00  }
0x13a: {  	[tilespmem:s26], [sflag:$0x3] =	stream.linear.gather [hbm4b:s23+s3], $0x80, $0x38;
	[tilespmem:$0x8100] =	vst v63  }
.LBB2_24:
0x13b: {  	_ =	sfence.sel $0x180000  }
0x13c: {  	[bflag:$0x0] =	sbarrier.arrive $0xFFFF  }
0x13d: {  	_ =	strace $0x90000047  }
0x13e: {  	s0 =	stileid.u32;
	[bflag:$0x2] =	sbarrier.arrive $0xFFFF  }
0x13f: {  	p0 =	sne.s32 s0, $0x0;
	s0 =	rddreg [dreg:$0x4]  }
0x140: {  	s0 =	sadd.s32 @!p0 $0x100000, s0  }
0x141: {  	[sflag:s0] =	ssyncadd.tile.s32 @!p0 $0x1;
	_ =	shalt  }
.Lfunc_end2:
_tile_overlayer_lowered:
.L_overlay_start_2:
0x142: {  	(tag) =	ssettag $0x2  }
0x143: {  	s0 =	rddreg [dreg:$0x0];
	s2 =	stileid.u32  }
0x144: {  	s1 =	rddreg [dreg:$0x1];
	p0 =	sne.s32 s2, $0x0  }
0x145: {  	s3 =	rddreg [dreg:$0x2];
	[bflag:$0x3] =	sbarrier.arrive $0xFFFF;
	s2 =	simm.s32 @!p0 $0x1C03  }
0x146: {  	[timem:s3], [sflag:s2] =	dma.local @!p0 [hbm:s0], s1  }
0x147: {  	s0 =	simm.s32 @!p0 $0x3  }
0x148: {  	_ =	swait.ge @!p0 [sflag:s0], s1  }
0x149: {  	s1 =	ssub.s32 @!p0 $0x0, s1;
	[sflag:s0] =	ssyncset.done @!p0 $0x0  }
0x14a: {  	[sflag:s0] =	ssyncadd.s32 @!p0 s1  }
0x14b: {  	[bflag:$0x3] =	sbarrier.arrive $0xFFFF  }
0x14c: {  	_ =	shalt  }

</sc_bundles>
